<compile_context>
chip_gen: v7x
topology: tpu7x:2x2x1
jax: 0.10.2.dev20260603
libtpu: 0.0.44.dev20260713+nightly
codegen_flags: <defaults>
</compile_context>

<pallas_src>
import functools

import jax
import jax.numpy as jnp
from jax import lax
from jax.experimental import pallas as pl
from jax.experimental.pallas import tpu as pltpu
from jax.experimental.pallas import tpu_sc as plsc

F = 26
V = 100000
E = 16
A = 8
B = 16384
NPAIR = F * (F - 1) // 2

NC, NS = 2, 16
NW = NC * NS
NROWS = B * F
NCOMP = F * E
COMP_PER_W = NCOMP // NW
BCH = 8192
NBCH = B // BCH



@functools.cache
def _make_sc_gather(nb):
    mesh = plsc.VectorSubcoreMesh(core_axis_name="c", subcore_axis_name="s")
    bch = min(nb, BCH)
    nbch = nb // bch

    @functools.partial(
        pl.kernel,
        out_type=jax.ShapeDtypeStruct((NCOMP, nb), jnp.float32),
        mesh=mesh,
        scratch_types=[
            pltpu.VMEM((V,), jnp.float32),
            pltpu.VMEM((bch,), jnp.int32),
            pltpu.VMEM((bch,), jnp.float32),
            pltpu.SemaphoreType.DMA,
        ],
        compiler_params=pltpu.CompilerParams(needs_layout_passes=False),
    )
    def _sc_gather(tbl_hbm, xt_hbm, out_hbm, tbl_v, idx_v, out_v, sem):
        wid = lax.axis_index("s") * NC + lax.axis_index("c")
        r0 = wid * COMP_PER_W

        def row_loop(k, c):
            r = r0 + k
            f = r // E
            pltpu.sync_copy(tbl_hbm.at[f, r % E], tbl_v)

            def chunk(j, c2):
                pltpu.sync_copy(xt_hbm.at[f, pl.ds(j * bch, bch)], idx_v)

                def grp(g, c3):
                    iv = idx_v[pl.ds(g * 16, 16)]
                    out_v[pl.ds(g * 16, 16)] = plsc.load_gather(tbl_v, [iv])
                    return c3

                lax.fori_loop(0, bch // 16, grp, 0)
                pltpu.sync_copy(out_v, out_hbm.at[r, pl.ds(j * bch, bch)])
                return c2

            lax.fori_loop(0, nbch, chunk, 0)
            return c

        lax.fori_loop(0, COMP_PER_W, row_loop, 0)

    return _sc_gather


BB = 256
NP13 = 13
PW = 512
IW = NP13 * PW
SW = 416


def _afm_body(x_ref, emb_ref, wt_ref, wt2_ref, abt_ref, ht_ref, e32_ref,
              es_ref, mask_ref, pp_ref, ww_ref, wb_ref, out_ref):
    e2 = emb_ref[...]
    pieces = []
    for p in range(NP13):
        d = (p + 1) * E
        rot = jnp.concatenate([e2[:, d:], e2[:, :d]], axis=1)
        pieces.append(e2 * rot)

    att0 = [jnp.maximum(
        jnp.dot(pieces[p][:, :256], wt_ref[...],
                preferred_element_type=jnp.float32) + abt_ref[...], 0.0)
        for p in range(NP13)]
    att1 = [jnp.maximum(
        jnp.dot(pieces[p][:, 256:], wt2_ref[...],
                preferred_element_type=jnp.float32) + abt_ref[...], 0.0)
        for p in range(NP13)]
    sc0 = [jnp.dot(a, ht_ref[...], preferred_element_type=jnp.float32)
           for a in att0]
    sc1 = [jnp.dot(a, ht_ref[...], preferred_element_type=jnp.float32)
           for a in att1]
    score_gs = []
    for p in range(NP13):
        score_gs.append(sc0[p])
        score_gs.append(sc1[p])
    score = jnp.concatenate(score_gs, axis=1) + mask_ref[...]

    m = jnp.max(score, axis=1, keepdims=True)
    ex = jnp.exp(score - m)
    w = ex / jnp.sum(ex, axis=1, keepdims=True)

    wexp = [jnp.dot(w[:, 256 * p:256 * (p + 1)], e32_ref[...],
                    preferred_element_type=jnp.float32)
            for p in range(NP13)]
    us = [pieces[p] * wexp[p] for p in range(NP13)]
    att_out = jnp.zeros((BB, E), jnp.float32)
    for p in range(NP13):
        att_out = att_out + jnp.dot(us[p], es_ref[...],
                                    preferred_element_type=jnp.float32)
    afm = jnp.sum(att_out * pp_ref[...], axis=1)
    wide = jnp.maximum(
        jnp.sum(x_ref[...] * ww_ref[...], axis=1) + wb_ref[0, 0], 0.0)
    out_ref[...] = jax.nn.sigmoid(wide + afm).reshape(BB, 1)


def _afm_tc(X, emb2, wt, wt2, abt, ht, e32, es, mask, pp_row, ww, wb2):
    nb = X.shape[0]
    nblk = nb // BB
    full = lambda shp: pl.BlockSpec(shp, lambda i: tuple(0 for _ in shp))
    return pl.pallas_call(
        _afm_body,
        grid=(nblk,),
        in_specs=[
            pl.BlockSpec((BB, F), lambda i: (i, 0)),
            pl.BlockSpec((BB, F * E), lambda i: (i, 0)),
            full((256, 128)),
            full((160, 128)),
            full((1, 128)),
            full((128, 128)),
            full((256, F * E)),
            full((F * E, E)),
            full((1, 26 * 128)),
            full((1, E)),
            full((1, F)),
            full((1, 1)),
        ],
        out_specs=pl.BlockSpec((BB, 1), lambda i: (i, 0)),
        out_shape=jax.ShapeDtypeStruct((nb, 1), jnp.float32),
    )(X, emb2, wt, wt2, abt, ht, e32, es, mask, pp_row, ww, wb2)


def kernel(X, tables, attention_W, attention_b, projection_h, projection_p,
           wide_W, wide_b):
    XT = X.astype(jnp.int32).T
    tblT = tables.transpose(0, 2, 1)

    eye16 = jnp.eye(E, dtype=jnp.float32)
    wt = jnp.kron(eye16, attention_W)
    wt2 = wt[:160]
    abt = jnp.tile(attention_b.reshape(1, A), (1, E))
    ht = jnp.pad(jnp.kron(eye16, projection_h.reshape(A, 1)),
                 ((0, 0), (0, 112)))
    lane416 = jnp.arange(F * E)
    c = jnp.arange(256)[:, None]
    fld = lane416[None, :] // E
    e32 = (((c < 16) & (fld == c))
           | ((c >= 128) & (c < 138) & (fld == c - 112))
           ).astype(jnp.float32)
    es = (lane416[:, None] % E
          == jnp.arange(E)[None, :]).astype(jnp.float32)
    l = jnp.arange(26 * 128)
    g = l // 128
    cc = l % 128
    p_ = g // 2
    f_ = 16 * (g % 2) + cc
    valid = (cc < 16) & (f_ < F) & ((p_ < NP13 - 1) | (f_ < NP13))
    mask = jnp.where(valid, 0.0, -1e30).astype(jnp.float32).reshape(1, -1)

    nsplit = 2
    hb = B // nsplit
    outs = []
    for h in range(nsplit):
        xt_h = XT[:, h * hb:(h + 1) * hb]
        embT_h = _make_sc_gather(hb)(tblT, xt_h)
        out_h = _afm_tc(X[h * hb:(h + 1) * hb], embT_h.T, wt, wt2, abt, ht,
                        e32, es, mask, projection_p.reshape(1, E), wide_W,
                        wide_b.reshape(1, 1))
        outs.append(out_h)
    return jnp.concatenate(outs, axis=0).reshape(B)

# --- scband reference (transcript-rebuilt; emitter-appended) ---
"""Pipeline reference for scband-afm-67534065762716 (READ-ONLY COPY).

The authoritative reference and input builder live on the scoring server;
editing this copy changes nothing except your own understanding.
"""

import jax, jax.numpy as jnp
import numpy as np
import itertools

N_FIELDS = 26
VOCAB = 100000
EMB = 16
ATT = 8
B = 16384

_PAIRS = list(itertools.combinations(range(N_FIELDS), 2))
_ROW_IDX = np.array([p[0] for p in _PAIRS], dtype=np.int32)
_COL_IDX = np.array([p[1] for p in _PAIRS], dtype=np.int32)


def setup_inputs(seed: int = 0) -> dict:
    key = jax.random.key(seed)
    ks = jax.random.split(key, 8)
    X = jax.random.randint(ks[0], (B, N_FIELDS), 0, VOCAB).astype(jnp.float32)
    tables = jax.random.normal(ks[1], (N_FIELDS, VOCAB, EMB), dtype=jnp.float32) * 0.05
    attention_W = jax.random.normal(ks[2], (EMB, ATT), dtype=jnp.float32) * (1.0 / np.sqrt(EMB))
    attention_b = jnp.zeros((ATT,), dtype=jnp.float32)
    projection_h = jax.random.normal(ks[3], (ATT, 1), dtype=jnp.float32) * 0.3
    projection_p = jax.random.normal(ks[4], (EMB, 1), dtype=jnp.float32) * 0.3
    wide_W = jax.random.normal(ks[5], (1, N_FIELDS), dtype=jnp.float32) * 1e-05
    wide_b = jnp.zeros((1,), dtype=jnp.float32)
    return {"X": X, "tables": tables, "attention_W": attention_W, "attention_b": attention_b,
            "projection_h": projection_h, "projection_p": projection_p,
            "wide_W": wide_W, "wide_b": wide_b}


def reference(X, tables, attention_W, attention_b, projection_h, projection_p, wide_W, wide_b):
    idx = X.astype(jnp.int32)  # [B, F], indices into per-field tables
    # embedding lookup: emb[b, f, :] = tables[f, idx[b, f], :]
    emb = tables[jnp.arange(N_FIELDS)[None, :], idx]  # [B, F, E]
    row_idx = jnp.asarray(_ROW_IDX)
    col_idx = jnp.asarray(_COL_IDX)
    p = emb[:, row_idx, :]  # [B, P, E]
    q = emb[:, col_idx, :]  # [B, P, E]
    inner_product = p * q  # bi-interaction, [B, P, E]
    attention_temp = jax.nn.relu(jnp.matmul(inner_product, attention_W) + attention_b)  # [B, P, ATT]
    normalized_att_score = jax.nn.softmax(jnp.matmul(attention_temp, projection_h), axis=1)  # [B, P, 1]
    attention_output = jnp.sum(normalized_att_score * inner_product, axis=1)  # [B, E]
    afm_out = jnp.matmul(attention_output, projection_p)  # [B, 1]
    wide_logit = jax.nn.relu(jnp.matmul(X, wide_W.T) + wide_b)  # [B, 1]
    logit = jax.nn.sigmoid(wide_logit + afm_out)
    return logit.squeeze(1)

if __name__ == "__main__":
    import jax
    _d = setup_inputs()
    print(jax.jit(kernel)(*tuple(_d.values())))

</pallas_src>

<mosaic_0001>
#map = affine_map<(d0, d1) -> (0, 0, 0)>
#map1 = affine_map<(d0, d1) -> (0, 0)>
module attributes {stable_mosaic.version = 14 : i64} {
  func.func @_sc_gather(%arg0: i32, %arg1: i32, %arg2: memref<26x16x100000xf32, #tpu.memory_space<hbm>>, %arg3: memref<26x8192xi32, #tpu.memory_space<hbm>>, %arg4: memref<416x8192xf32, #tpu.memory_space<hbm>>, %arg5: memref<100000xf32, #tpu.memory_space<vmem>>, %arg6: memref<8192xi32, #tpu.memory_space<vmem>>, %arg7: memref<8192xf32, #tpu.memory_space<vmem>>, %arg8: memref<!tpu.dma_semaphore, #tpu.memory_space<semaphore_mem>>) attributes {dimension_semantics = [#tpu.dimension_semantics<core_parallel>, #tpu.dimension_semantics<subcore_parallel>], iteration_bounds = array<i64: 2, 16>, scalar_prefetch = 0 : i64, scratch_operands = 4 : i64, tpu.core_type = #tpu.core_type<sc_vector_subcore>, window_params = [{transform_indices = #map}, {transform_indices = #map1}, {transform_indices = #map1}]} {
    %mul3A = arith.constant 2 : i32
    %mul3A_0 = arith.muli %arg1, %mul3A : i32
    %add3A = arith.addi %mul3A_0, %arg0 : i32
    %mul3A_1 = arith.constant 13 : i32
    %mul3A_2 = arith.muli %add3A, %mul3A_1 : i32
    %scan3A = arith.constant 0 : i32
    %scan3A_3 = arith.constant 0 : i32
    %scan3A_4 = arith.constant 13 : i32
    %scan3A_5 = arith.addi %scan3A_3, %scan3A_4 : i32
    %scan3A_6 = arith.constant 1 : i32
    scf.for %scan3A_8 = %scan3A_3 to %scan3A_5 step %scan3A_6  : i32 {
      %add3A_9 = arith.addi %mul3A_2, %scan3A_8 : i32
      %jit3A = arith.constant 16 : i32
      %div3A = arith.divsi %add3A_9, %jit3A : i32
      %sign3A = arith.constant 0 : i32
      %sign3A_10 = arith.cmpi sgt, %add3A_9, %sign3A : i32
      %sign3A_11 = arith.extui %sign3A_10 : i1 to i32
      %sign3A_12 = arith.constant 0 : i32
      %sign3A_13 = arith.cmpi slt, %add3A_9, %sign3A_12 : i32
      %sign3A_14 = arith.extui %sign3A_13 : i1 to i32
      %sign3A_15 = arith.subi %sign3A_11, %sign3A_14 : i32
      %sign3A_16 = arith.constant 0 : i32
      %sign3A_17 = arith.cmpi sgt, %jit3A, %sign3A_16 : i32
      %sign3A_18 = arith.extui %sign3A_17 : i1 to i32
      %sign3A_19 = arith.constant 0 : i32
      %sign3A_20 = arith.cmpi slt, %jit3A, %sign3A_19 : i32
      %sign3A_21 = arith.extui %sign3A_20 : i1 to i32
      %sign3A_22 = arith.subi %sign3A_18, %sign3A_21 : i32
      %ne3A = arith.cmpi ne, %sign3A_15, %sign3A_22 : i32
      %rem3A = arith.remsi %add3A_9, %jit3A : i32
      %ne3A_23 = arith.constant 0 : i32
      %ne3A_24 = arith.cmpi ne, %rem3A, %ne3A_23 : i32
      %and3A = arith.andi %ne3A, %ne3A_24 : i1
      %sub3A = arith.constant 1 : i32
      %sub3A_25 = arith.subi %div3A, %sub3A : i32
      %select_n3A = arith.select %and3A, %sub3A_25, %div3A : i32
      %jit3A_26 = arith.constant 16 : i32
      %eq3A = arith.constant 0 : i32
      %eq3A_27 = arith.cmpi eq, %jit3A_26, %eq3A : i32
      %jit3A_28 = arith.constant 1 : i32
      %select_n3A_29 = arith.select %eq3A_27, %jit3A_28, %jit3A_26 : i32
      %rem3A_30 = arith.remsi %add3A_9, %select_n3A_29 : i32
      %ne3A_31 = arith.constant 0 : i32
      %ne3A_32 = arith.cmpi ne, %rem3A_30, %ne3A_31 : i32
      %lt3A = arith.constant 0 : i32
      %lt3A_33 = arith.cmpi slt, %rem3A_30, %lt3A : i32
      %lt3A_34 = arith.constant 0 : i32
      %lt3A_35 = arith.cmpi slt, %select_n3A_29, %lt3A_34 : i32
      %ne3A_36 = arith.xori %lt3A_33, %lt3A_35 : i1
      %and3A_37 = arith.andi %ne3A_36, %ne3A_32 : i1
      %add3A_38 = arith.addi %rem3A_30, %select_n3A_29 : i32
      %select_n3A_39 = arith.select %and3A_37, %add3A_38, %rem3A_30 : i32
      "tpu.region"() ({
        %run_scoped3A = tpu.sem_alloc : memref<!tpu.dma_semaphore, #tpu.memory_space<semaphore_mem>>
        %dma_start3A = arith.constant 0 : i32
        %dma_start3A_53 = tpu.memref_slice %arg2[%select_n3A, %select_n3A_39, %dma_start3A] : memref<26x16x100000xf32, #tpu.memory_space<hbm>> -> memref<1x1x100000xf32, #tpu.memory_space<hbm>>
        %dma_start3A_54 = tpu.memref_squeeze %dma_start3A_53 : memref<1x1x100000xf32, #tpu.memory_space<hbm>> -> memref<100000xf32, #tpu.memory_space<hbm>>
        %dma_start3A_55 = arith.constant 0 : i32
        %dma_start3A_56 = tpu.memref_slice %arg2[%select_n3A, %select_n3A_39, %dma_start3A_55] : memref<26x16x100000xf32, #tpu.memory_space<hbm>> -> memref<1x1x100000xf32, #tpu.memory_space<hbm>>
        %dma_start3A_57 = tpu.memref_squeeze %dma_start3A_56 : memref<1x1x100000xf32, #tpu.memory_space<hbm>> -> memref<100000xf32, #tpu.memory_space<hbm>>
        tpu.enqueue_dma source(%dma_start3A_57 : memref<100000xf32, #tpu.memory_space<hbm>>) target(%arg5 : memref<100000xf32, #tpu.memory_space<vmem>>) target_semaphore(%run_scoped3A : memref<!tpu.dma_semaphore, #tpu.memory_space<semaphore_mem>>)
        %dma_wait3A = arith.constant 0 : i32
        %dma_wait3A_58 = tpu.memref_slice %arg2[%select_n3A, %select_n3A_39, %dma_wait3A] : memref<26x16x100000xf32, #tpu.memory_space<hbm>> -> memref<1x1x100000xf32, #tpu.memory_space<hbm>>
        %dma_wait3A_59 = tpu.memref_squeeze %dma_wait3A_58 : memref<1x1x100000xf32, #tpu.memory_space<hbm>> -> memref<100000xf32, #tpu.memory_space<hbm>>
        %dma_wait3A_60 = arith.constant 0 : i32
        %dma_wait3A_61 = tpu.memref_slice %arg2[%select_n3A, %select_n3A_39, %dma_wait3A_60] : memref<26x16x100000xf32, #tpu.memory_space<hbm>> -> memref<1x1x100000xf32, #tpu.memory_space<hbm>>
        %dma_wait3A_62 = tpu.memref_squeeze %dma_wait3A_61 : memref<1x1x100000xf32, #tpu.memory_space<hbm>> -> memref<100000xf32, #tpu.memory_space<hbm>>
        tpu.wait_dma2 semaphore(%run_scoped3A : memref<!tpu.dma_semaphore, #tpu.memory_space<semaphore_mem>>) src(%dma_wait3A_62 : memref<100000xf32, #tpu.memory_space<hbm>>) dst(%arg5 : memref<100000xf32, #tpu.memory_space<vmem>>)
        tpu.yield
      }) : () -> ()
      %scan3A_40 = arith.constant 0 : i32
      %scan3A_41 = arith.constant 0 : i32
      %mul3A_42 = arith.constant 8192 : i32
      %mul3A_43 = arith.muli %scan3A_41, %mul3A_42 : i32
      "tpu.region"() ({
        %run_scoped3A = tpu.sem_alloc : memref<!tpu.dma_semaphore, #tpu.memory_space<semaphore_mem>>
        %dma_start3A = tpu.memref_slice %arg3[%select_n3A, %mul3A_43] : memref<26x8192xi32, #tpu.memory_space<hbm>> -> memref<1x8192xi32, #tpu.memory_space<hbm>>
        %dma_start3A_53 = tpu.memref_squeeze %dma_start3A : memref<1x8192xi32, #tpu.memory_space<hbm>> -> memref<8192xi32, #tpu.memory_space<hbm>>
        %dma_start3A_54 = tpu.memref_slice %arg3[%select_n3A, %mul3A_43] : memref<26x8192xi32, #tpu.memory_space<hbm>> -> memref<1x8192xi32, #tpu.memory_space<hbm>>
        %dma_start3A_55 = tpu.memref_squeeze %dma_start3A_54 : memref<1x8192xi32, #tpu.memory_space<hbm>> -> memref<8192xi32, #tpu.memory_space<hbm>>
        tpu.enqueue_dma source(%dma_start3A_55 : memref<8192xi32, #tpu.memory_space<hbm>>) target(%arg6 : memref<8192xi32, #tpu.memory_space<vmem>>) target_semaphore(%run_scoped3A : memref<!tpu.dma_semaphore, #tpu.memory_space<semaphore_mem>>)
        %dma_wait3A = tpu.memref_slice %arg3[%select_n3A, %mul3A_43] : memref<26x8192xi32, #tpu.memory_space<hbm>> -> memref<1x8192xi32, #tpu.memory_space<hbm>>
        %dma_wait3A_56 = tpu.memref_squeeze %dma_wait3A : memref<1x8192xi32, #tpu.memory_space<hbm>> -> memref<8192xi32, #tpu.memory_space<hbm>>
        %dma_wait3A_57 = tpu.memref_slice %arg3[%select_n3A, %mul3A_43] : memref<26x8192xi32, #tpu.memory_space<hbm>> -> memref<1x8192xi32, #tpu.memory_space<hbm>>
        %dma_wait3A_58 = tpu.memref_squeeze %dma_wait3A_57 : memref<1x8192xi32, #tpu.memory_space<hbm>> -> memref<8192xi32, #tpu.memory_space<hbm>>
        tpu.wait_dma2 semaphore(%run_scoped3A : memref<!tpu.dma_semaphore, #tpu.memory_space<semaphore_mem>>) src(%dma_wait3A_58 : memref<8192xi32, #tpu.memory_space<hbm>>) dst(%arg6 : memref<8192xi32, #tpu.memory_space<vmem>>)
        tpu.yield
      }) : () -> ()
      %scan3A_44 = arith.constant 0 : i32
      %scan3A_45 = arith.constant 0 : i32
      %scan3A_46 = arith.constant 512 : i32
      %scan3A_47 = arith.addi %scan3A_45, %scan3A_46 : i32
      %scan3A_48 = arith.constant 1 : i32
      scf.for %scan3A_53 = %scan3A_45 to %scan3A_47 step %scan3A_48  : i32 {
        %mul3A_54 = arith.constant 16 : i32
        %mul3A_55 = arith.muli %scan3A_53, %mul3A_54 : i32
        %get3A = arith.index_cast %mul3A_55 : i32 to index
        %get3A_56 = tpu.vector_load %arg6[%get3A] {strides = array<i32>} : memref<8192xi32, #tpu.memory_space<vmem>>, vector<16xi32>,
        %gather3A = tpu.vector_load_idx %arg5[%get3A_56] : memref<100000xf32, #tpu.memory_space<vmem>>[vector<16xi32>], vector<16xf32>,
        %mul3A_57 = arith.constant 16 : i32
        %mul3A_58 = arith.muli %scan3A_53, %mul3A_57 : i32
        %swap3A = arith.index_cast %mul3A_58 : i32 to index
        %swap3A_59 = tpu.vector_load %arg7[%swap3A] {strides = array<i32>} : memref<8192xf32, #tpu.memory_space<vmem>>, vector<16xf32>,
        tpu.vector_store %arg7[%swap3A], %gather3A {strides = array<i32>} : memref<8192xf32, #tpu.memory_space<vmem>>, vector<16xf32>,
      }
      %scan3A_49 = arith.constant 512 : i32
      %mul3A_50 = arith.constant 8192 : i32
      %mul3A_51 = arith.muli %scan3A_41, %mul3A_50 : i32
      "tpu.region"() ({
        %run_scoped3A = tpu.sem_alloc : memref<!tpu.dma_semaphore, #tpu.memory_space<semaphore_mem>>
        %dma_start3A = tpu.memref_slice %arg4[%add3A_9, %mul3A_51] : memref<416x8192xf32, #tpu.memory_space<hbm>> -> memref<1x8192xf32, #tpu.memory_space<hbm>>
        %dma_start3A_53 = tpu.memref_squeeze %dma_start3A : memref<1x8192xf32, #tpu.memory_space<hbm>> -> memref<8192xf32, #tpu.memory_space<hbm>>
        %dma_start3A_54 = tpu.memref_slice %arg4[%add3A_9, %mul3A_51] : memref<416x8192xf32, #tpu.memory_space<hbm>> -> memref<1x8192xf32, #tpu.memory_space<hbm>>
        %dma_start3A_55 = tpu.memref_squeeze %dma_start3A_54 : memref<1x8192xf32, #tpu.memory_space<hbm>> -> memref<8192xf32, #tpu.memory_space<hbm>>
        tpu.enqueue_dma source(%arg7 : memref<8192xf32, #tpu.memory_space<vmem>>) target(%dma_start3A_55 : memref<8192xf32, #tpu.memory_space<hbm>>) target_semaphore(%run_scoped3A : memref<!tpu.dma_semaphore, #tpu.memory_space<semaphore_mem>>)
        %dma_wait3A = tpu.memref_slice %arg4[%add3A_9, %mul3A_51] : memref<416x8192xf32, #tpu.memory_space<hbm>> -> memref<1x8192xf32, #tpu.memory_space<hbm>>
        %dma_wait3A_56 = tpu.memref_squeeze %dma_wait3A : memref<1x8192xf32, #tpu.memory_space<hbm>> -> memref<8192xf32, #tpu.memory_space<hbm>>
        %dma_wait3A_57 = tpu.memref_slice %arg4[%add3A_9, %mul3A_51] : memref<416x8192xf32, #tpu.memory_space<hbm>> -> memref<1x8192xf32, #tpu.memory_space<hbm>>
        %dma_wait3A_58 = tpu.memref_squeeze %dma_wait3A_57 : memref<1x8192xf32, #tpu.memory_space<hbm>> -> memref<8192xf32, #tpu.memory_space<hbm>>
        tpu.wait_dma2 semaphore(%run_scoped3A : memref<!tpu.dma_semaphore, #tpu.memory_space<semaphore_mem>>) src(%arg7 : memref<8192xf32, #tpu.memory_space<vmem>>) dst(%dma_wait3A_58 : memref<8192xf32, #tpu.memory_space<hbm>>)
        tpu.yield
      }) : () -> ()
      %scan3A_52 = arith.constant 1 : i32
    }
    %scan3A_7 = arith.constant 13 : i32
    return
  }
}

#map = affine_map<(d0, d1) -> (0, 0, 0)>
#map1 = affine_map<(d0, d1) -> (0, 0)>
module attributes {stable_mosaic.version = 14 : i64} {
  func.func @_sc_gather(%arg0: i32, %arg1: i32, %arg2: memref<26x16x100000xf32, #tpu.memory_space<hbm>>, %arg3: memref<26x8192xi32, #tpu.memory_space<hbm>>, %arg4: memref<416x8192xf32, #tpu.memory_space<hbm>>, %arg5: memref<100000xf32, #tpu.memory_space<vmem>>, %arg6: memref<8192xi32, #tpu.memory_space<vmem>>, %arg7: memref<8192xf32, #tpu.memory_space<vmem>>, %arg8: memref<!tpu.dma_semaphore, #tpu.memory_space<semaphore_mem>>) attributes {dimension_semantics = [#tpu.dimension_semantics<core_parallel>, #tpu.dimension_semantics<subcore_parallel>], iteration_bounds = array<i64: 2, 16>, scalar_prefetch = 0 : i64, scratch_operands = 4 : i64, tpu.core_type = #tpu.core_type<sc_vector_subcore>, window_params = [{transform_indices = #map}, {transform_indices = #map1}, {transform_indices = #map1}]} {
    %mul3A = arith.constant 2 : i32
    %mul3A_0 = arith.muli %arg1, %mul3A : i32
    %add3A = arith.addi %mul3A_0, %arg0 : i32
    %mul3A_1 = arith.constant 13 : i32
    %mul3A_2 = arith.muli %add3A, %mul3A_1 : i32
    %scan3A = arith.constant 0 : i32
    %scan3A_3 = arith.constant 0 : i32
    %scan3A_4 = arith.constant 13 : i32
    %scan3A_5 = arith.addi %scan3A_3, %scan3A_4 : i32
    %scan3A_6 = arith.constant 1 : i32
    scf.for %scan3A_8 = %scan3A_3 to %scan3A_5 step %scan3A_6  : i32 {
      %add3A_9 = arith.addi %mul3A_2, %scan3A_8 : i32
      %jit3A = arith.constant 16 : i32
      %div3A = arith.divsi %add3A_9, %jit3A : i32
      %sign3A = arith.constant 0 : i32
      %sign3A_10 = arith.cmpi sgt, %add3A_9, %sign3A : i32
      %sign3A_11 = arith.extui %sign3A_10 : i1 to i32
      %sign3A_12 = arith.constant 0 : i32
      %sign3A_13 = arith.cmpi slt, %add3A_9, %sign3A_12 : i32
      %sign3A_14 = arith.extui %sign3A_13 : i1 to i32
      %sign3A_15 = arith.subi %sign3A_11, %sign3A_14 : i32
      %sign3A_16 = arith.constant 0 : i32
      %sign3A_17 = arith.cmpi sgt, %jit3A, %sign3A_16 : i32
      %sign3A_18 = arith.extui %sign3A_17 : i1 to i32
      %sign3A_19 = arith.constant 0 : i32
      %sign3A_20 = arith.cmpi slt, %jit3A, %sign3A_19 : i32
      %sign3A_21 = arith.extui %sign3A_20 : i1 to i32
      %sign3A_22 = arith.subi %sign3A_18, %sign3A_21 : i32
      %ne3A = arith.cmpi ne, %sign3A_15, %sign3A_22 : i32
      %rem3A = arith.remsi %add3A_9, %jit3A : i32
      %ne3A_23 = arith.constant 0 : i32
      %ne3A_24 = arith.cmpi ne, %rem3A, %ne3A_23 : i32
      %and3A = arith.andi %ne3A, %ne3A_24 : i1
      %sub3A = arith.constant 1 : i32
      %sub3A_25 = arith.subi %div3A, %sub3A : i32
      %select_n3A = arith.select %and3A, %sub3A_25, %div3A : i32
      %jit3A_26 = arith.constant 16 : i32
      %eq3A = arith.constant 0 : i32
      %eq3A_27 = arith.cmpi eq, %jit3A_26, %eq3A : i32
      %jit3A_28 = arith.constant 1 : i32
      %select_n3A_29 = arith.select %eq3A_27, %jit3A_28, %jit3A_26 : i32
      %rem3A_30 = arith.remsi %add3A_9, %select_n3A_29 : i32
      %ne3A_31 = arith.constant 0 : i32
      %ne3A_32 = arith.cmpi ne, %rem3A_30, %ne3A_31 : i32
      %lt3A = arith.constant 0 : i32
      %lt3A_33 = arith.cmpi slt, %rem3A_30, %lt3A : i32
      %lt3A_34 = arith.constant 0 : i32
      %lt3A_35 = arith.cmpi slt, %select_n3A_29, %lt3A_34 : i32
      %ne3A_36 = arith.xori %lt3A_33, %lt3A_35 : i1
      %and3A_37 = arith.andi %ne3A_36, %ne3A_32 : i1
      %add3A_38 = arith.addi %rem3A_30, %select_n3A_29 : i32
      %select_n3A_39 = arith.select %and3A_37, %add3A_38, %rem3A_30 : i32
      "tpu.region"() ({
        %run_scoped3A = tpu.sem_alloc : memref<!tpu.dma_semaphore, #tpu.memory_space<semaphore_mem>>
        %dma_start3A = arith.constant 0 : i32
        %dma_start3A_53 = tpu.memref_slice %arg2[%select_n3A, %select_n3A_39, %dma_start3A] : memref<26x16x100000xf32, #tpu.memory_space<hbm>> -> memref<1x1x100000xf32, #tpu.memory_space<hbm>>
        %dma_start3A_54 = tpu.memref_squeeze %dma_start3A_53 : memref<1x1x100000xf32, #tpu.memory_space<hbm>> -> memref<100000xf32, #tpu.memory_space<hbm>>
        %dma_start3A_55 = arith.constant 0 : i32
        %dma_start3A_56 = tpu.memref_slice %arg2[%select_n3A, %select_n3A_39, %dma_start3A_55] : memref<26x16x100000xf32, #tpu.memory_space<hbm>> -> memref<1x1x100000xf32, #tpu.memory_space<hbm>>
        %dma_start3A_57 = tpu.memref_squeeze %dma_start3A_56 : memref<1x1x100000xf32, #tpu.memory_space<hbm>> -> memref<100000xf32, #tpu.memory_space<hbm>>
        tpu.enqueue_dma source(%dma_start3A_57 : memref<100000xf32, #tpu.memory_space<hbm>>) target(%arg5 : memref<100000xf32, #tpu.memory_space<vmem>>) target_semaphore(%run_scoped3A : memref<!tpu.dma_semaphore, #tpu.memory_space<semaphore_mem>>)
        %dma_wait3A = arith.constant 0 : i32
        %dma_wait3A_58 = tpu.memref_slice %arg2[%select_n3A, %select_n3A_39, %dma_wait3A] : memref<26x16x100000xf32, #tpu.memory_space<hbm>> -> memref<1x1x100000xf32, #tpu.memory_space<hbm>>
        %dma_wait3A_59 = tpu.memref_squeeze %dma_wait3A_58 : memref<1x1x100000xf32, #tpu.memory_space<hbm>> -> memref<100000xf32, #tpu.memory_space<hbm>>
        %dma_wait3A_60 = arith.constant 0 : i32
        %dma_wait3A_61 = tpu.memref_slice %arg2[%select_n3A, %select_n3A_39, %dma_wait3A_60] : memref<26x16x100000xf32, #tpu.memory_space<hbm>> -> memref<1x1x100000xf32, #tpu.memory_space<hbm>>
        %dma_wait3A_62 = tpu.memref_squeeze %dma_wait3A_61 : memref<1x1x100000xf32, #tpu.memory_space<hbm>> -> memref<100000xf32, #tpu.memory_space<hbm>>
        tpu.wait_dma2 semaphore(%run_scoped3A : memref<!tpu.dma_semaphore, #tpu.memory_space<semaphore_mem>>) src(%dma_wait3A_62 : memref<100000xf32, #tpu.memory_space<hbm>>) dst(%arg5 : memref<100000xf32, #tpu.memory_space<vmem>>)
        tpu.yield
      }) : () -> ()
      %scan3A_40 = arith.constant 0 : i32
      %scan3A_41 = arith.constant 0 : i32
      %mul3A_42 = arith.constant 8192 : i32
      %mul3A_43 = arith.muli %scan3A_41, %mul3A_42 : i32
      "tpu.region"() ({
        %run_scoped3A = tpu.sem_alloc : memref<!tpu.dma_semaphore, #tpu.memory_space<semaphore_mem>>
        %dma_start3A = tpu.memref_slice %arg3[%select_n3A, %mul3A_43] : memref<26x8192xi32, #tpu.memory_space<hbm>> -> memref<1x8192xi32, #tpu.memory_space<hbm>>
        %dma_start3A_53 = tpu.memref_squeeze %dma_start3A : memref<1x8192xi32, #tpu.memory_space<hbm>> -> memref<8192xi32, #tpu.memory_space<hbm>>
        %dma_start3A_54 = tpu.memref_slice %arg3[%select_n3A, %mul3A_43] : memref<26x8192xi32, #tpu.memory_space<hbm>> -> memref<1x8192xi32, #tpu.memory_space<hbm>>
        %dma_start3A_55 = tpu.memref_squeeze %dma_start3A_54 : memref<1x8192xi32, #tpu.memory_space<hbm>> -> memref<8192xi32, #tpu.memory_space<hbm>>
        tpu.enqueue_dma source(%dma_start3A_55 : memref<8192xi32, #tpu.memory_space<hbm>>) target(%arg6 : memref<8192xi32, #tpu.memory_space<vmem>>) target_semaphore(%run_scoped3A : memref<!tpu.dma_semaphore, #tpu.memory_space<semaphore_mem>>)
        %dma_wait3A = tpu.memref_slice %arg3[%select_n3A, %mul3A_43] : memref<26x8192xi32, #tpu.memory_space<hbm>> -> memref<1x8192xi32, #tpu.memory_space<hbm>>
        %dma_wait3A_56 = tpu.memref_squeeze %dma_wait3A : memref<1x8192xi32, #tpu.memory_space<hbm>> -> memref<8192xi32, #tpu.memory_space<hbm>>
        %dma_wait3A_57 = tpu.memref_slice %arg3[%select_n3A, %mul3A_43] : memref<26x8192xi32, #tpu.memory_space<hbm>> -> memref<1x8192xi32, #tpu.memory_space<hbm>>
        %dma_wait3A_58 = tpu.memref_squeeze %dma_wait3A_57 : memref<1x8192xi32, #tpu.memory_space<hbm>> -> memref<8192xi32, #tpu.memory_space<hbm>>
        tpu.wait_dma2 semaphore(%run_scoped3A : memref<!tpu.dma_semaphore, #tpu.memory_space<semaphore_mem>>) src(%dma_wait3A_58 : memref<8192xi32, #tpu.memory_space<hbm>>) dst(%arg6 : memref<8192xi32, #tpu.memory_space<vmem>>)
        tpu.yield
      }) : () -> ()
      %scan3A_44 = arith.constant 0 : i32
      %scan3A_45 = arith.constant 0 : i32
      %scan3A_46 = arith.constant 512 : i32
      %scan3A_47 = arith.addi %scan3A_45, %scan3A_46 : i32
      %scan3A_48 = arith.constant 1 : i32
      scf.for %scan3A_53 = %scan3A_45 to %scan3A_47 step %scan3A_48  : i32 {
        %mul3A_54 = arith.constant 16 : i32
        %mul3A_55 = arith.muli %scan3A_53, %mul3A_54 : i32
        %get3A = arith.index_cast %mul3A_55 : i32 to index
        %get3A_56 = tpu.vector_load %arg6[%get3A] {strides = array<i32>} : memref<8192xi32, #tpu.memory_space<vmem>>, vector<16xi32>,
        %gather3A = tpu.vector_load_idx %arg5[%get3A_56] : memref<100000xf32, #tpu.memory_space<vmem>>[vector<16xi32>], vector<16xf32>,
        %mul3A_57 = arith.constant 16 : i32
        %mul3A_58 = arith.muli %scan3A_53, %mul3A_57 : i32
        %swap3A = arith.index_cast %mul3A_58 : i32 to index
        %swap3A_59 = tpu.vector_load %arg7[%swap3A] {strides = array<i32>} : memref<8192xf32, #tpu.memory_space<vmem>>, vector<16xf32>,
        tpu.vector_store %arg7[%swap3A], %gather3A {strides = array<i32>} : memref<8192xf32, #tpu.memory_space<vmem>>, vector<16xf32>,
      }
      %scan3A_49 = arith.constant 512 : i32
      %mul3A_50 = arith.constant 8192 : i32
      %mul3A_51 = arith.muli %scan3A_41, %mul3A_50 : i32
      "tpu.region"() ({
        %run_scoped3A = tpu.sem_alloc : memref<!tpu.dma_semaphore, #tpu.memory_space<semaphore_mem>>
        %dma_start3A = tpu.memref_slice %arg4[%add3A_9, %mul3A_51] : memref<416x8192xf32, #tpu.memory_space<hbm>> -> memref<1x8192xf32, #tpu.memory_space<hbm>>
        %dma_start3A_53 = tpu.memref_squeeze %dma_start3A : memref<1x8192xf32, #tpu.memory_space<hbm>> -> memref<8192xf32, #tpu.memory_space<hbm>>
        %dma_start3A_54 = tpu.memref_slice %arg4[%add3A_9, %mul3A_51] : memref<416x8192xf32, #tpu.memory_space<hbm>> -> memref<1x8192xf32, #tpu.memory_space<hbm>>
        %dma_start3A_55 = tpu.memref_squeeze %dma_start3A_54 : memref<1x8192xf32, #tpu.memory_space<hbm>> -> memref<8192xf32, #tpu.memory_space<hbm>>
        tpu.enqueue_dma source(%arg7 : memref<8192xf32, #tpu.memory_space<vmem>>) target(%dma_start3A_55 : memref<8192xf32, #tpu.memory_space<hbm>>) target_semaphore(%run_scoped3A : memref<!tpu.dma_semaphore, #tpu.memory_space<semaphore_mem>>)
        %dma_wait3A = tpu.memref_slice %arg4[%add3A_9, %mul3A_51] : memref<416x8192xf32, #tpu.memory_space<hbm>> -> memref<1x8192xf32, #tpu.memory_space<hbm>>
        %dma_wait3A_56 = tpu.memref_squeeze %dma_wait3A : memref<1x8192xf32, #tpu.memory_space<hbm>> -> memref<8192xf32, #tpu.memory_space<hbm>>
        %dma_wait3A_57 = tpu.memref_slice %arg4[%add3A_9, %mul3A_51] : memref<416x8192xf32, #tpu.memory_space<hbm>> -> memref<1x8192xf32, #tpu.memory_space<hbm>>
        %dma_wait3A_58 = tpu.memref_squeeze %dma_wait3A_57 : memref<1x8192xf32, #tpu.memory_space<hbm>> -> memref<8192xf32, #tpu.memory_space<hbm>>
        tpu.wait_dma2 semaphore(%run_scoped3A : memref<!tpu.dma_semaphore, #tpu.memory_space<semaphore_mem>>) src(%arg7 : memref<8192xf32, #tpu.memory_space<vmem>>) dst(%dma_wait3A_58 : memref<8192xf32, #tpu.memory_space<hbm>>)
        tpu.yield
      }) : () -> ()
      %scan3A_52 = arith.constant 1 : i32
    }
    %scan3A_7 = arith.constant 13 : i32
    return
  }
}

module attributes {stable_mosaic.version = 14 : i64} {
  func.func @_afm_body(%arg0: i32, %arg1: memref<256x26xf32, #tpu.memory_space<vmem>>, %arg2: memref<256x416xf32, #tpu.memory_space<vmem>>, %arg3: memref<256x128xf32, #tpu.memory_space<vmem>>, %arg4: memref<160x128xf32, #tpu.memory_space<vmem>>, %arg5: memref<1x128xf32, #tpu.memory_space<vmem>>, %arg6: memref<128x128xf32, #tpu.memory_space<vmem>>, %arg7: memref<256x416xf32, #tpu.memory_space<vmem>>, %arg8: memref<416x16xf32, #tpu.memory_space<vmem>>, %arg9: memref<1x3328xf32, #tpu.memory_space<vmem>>, %arg10: memref<1x16xf32, #tpu.memory_space<vmem>>, %arg11: memref<1x26xf32, #tpu.memory_space<vmem>>, %arg12: memref<1x1xf32, #tpu.memory_space<vmem>>, %arg13: memref<256x1xf32, #tpu.memory_space<vmem>>) attributes {dimension_semantics = [#tpu.dimension_semantics<arbitrary>], iteration_bounds = array<i64: 32>, scalar_prefetch = 0 : i64, scratch_operands = 0 : i64, tpu.core_type = #tpu.core_type<tc>, window_params = [{transform_indices = @transform_0, window_bounds = array<i64: 256, 26>}, {transform_indices = @transform_1, window_bounds = array<i64: 256, 416>}, {pipeline_mode = #tpu.pipeline_mode<synchronous>, transform_indices = @transform_2, window_bounds = array<i64: 256, 128>}, {pipeline_mode = #tpu.pipeline_mode<synchronous>, transform_indices = @transform_3, window_bounds = array<i64: 160, 128>}, {pipeline_mode = #tpu.pipeline_mode<synchronous>, transform_indices = @transform_4, window_bounds = array<i64: 1, 128>}, {pipeline_mode = #tpu.pipeline_mode<synchronous>, transform_indices = @transform_5, window_bounds = array<i64: 128, 128>}, {pipeline_mode = #tpu.pipeline_mode<synchronous>, transform_indices = @transform_6, window_bounds = array<i64: 256, 416>}, {pipeline_mode = #tpu.pipeline_mode<synchronous>, transform_indices = @transform_7, window_bounds = array<i64: 416, 16>}, {pipeline_mode = #tpu.pipeline_mode<synchronous>, transform_indices = @transform_8, window_bounds = array<i64: 1, 3328>}, {pipeline_mode = #tpu.pipeline_mode<synchronous>, transform_indices = @transform_9, window_bounds = array<i64: 1, 16>}, {pipeline_mode = #tpu.pipeline_mode<synchronous>, transform_indices = @transform_10, window_bounds = array<i64: 1, 26>}, {pipeline_mode = #tpu.pipeline_mode<synchronous>, transform_indices = @transform_11, window_bounds = array<i64: 1, 1>}, {transform_indices = @transform_12, window_bounds = array<i64: 256, 1>}]} {
    %get3A = arith.constant 0 : index
    %get3A_0 = arith.constant 0 : index
    %get3A_1 = vector.load %arg2[%get3A, %get3A_0] : memref<256x416xf32, #tpu.memory_space<vmem>>, vector<256x416xf32>
    %slice3A = vector.extract_strided_slice %get3A_1 {offsets = [0, 16], sizes = [256, 400], strides = [1, 1]} : vector<256x416xf32> to vector<256x400xf32>
    %slice3A_2 = vector.extract_strided_slice %get3A_1 {offsets = [0, 0], sizes = [256, 16], strides = [1, 1]} : vector<256x416xf32> to vector<256x16xf32>
    %concatenate3A = tpu.concatenate %slice3A, %slice3A_2 in 1 : vector<256x400xf32>, vector<256x16xf32> -> vector<256x416xf32>
    %mul3A = arith.mulf %get3A_1, %concatenate3A : vector<256x416xf32>
    %slice3A_3 = vector.extract_strided_slice %get3A_1 {offsets = [0, 32], sizes = [256, 384], strides = [1, 1]} : vector<256x416xf32> to vector<256x384xf32>
    %slice3A_4 = vector.extract_strided_slice %get3A_1 {offsets = [0, 0], sizes = [256, 32], strides = [1, 1]} : vector<256x416xf32> to vector<256x32xf32>
    %concatenate3A_5 = tpu.concatenate %slice3A_3, %slice3A_4 in 1 : vector<256x384xf32>, vector<256x32xf32> -> vector<256x416xf32>
    %mul3A_6 = arith.mulf %get3A_1, %concatenate3A_5 : vector<256x416xf32>
    %slice3A_7 = vector.extract_strided_slice %get3A_1 {offsets = [0, 48], sizes = [256, 368], strides = [1, 1]} : vector<256x416xf32> to vector<256x368xf32>
    %slice3A_8 = vector.extract_strided_slice %get3A_1 {offsets = [0, 0], sizes = [256, 48], strides = [1, 1]} : vector<256x416xf32> to vector<256x48xf32>
    %concatenate3A_9 = tpu.concatenate %slice3A_7, %slice3A_8 in 1 : vector<256x368xf32>, vector<256x48xf32> -> vector<256x416xf32>
    %mul3A_10 = arith.mulf %get3A_1, %concatenate3A_9 : vector<256x416xf32>
    %slice3A_11 = vector.extract_strided_slice %get3A_1 {offsets = [0, 64], sizes = [256, 352], strides = [1, 1]} : vector<256x416xf32> to vector<256x352xf32>
    %slice3A_12 = vector.extract_strided_slice %get3A_1 {offsets = [0, 0], sizes = [256, 64], strides = [1, 1]} : vector<256x416xf32> to vector<256x64xf32>
    %concatenate3A_13 = tpu.concatenate %slice3A_11, %slice3A_12 in 1 : vector<256x352xf32>, vector<256x64xf32> -> vector<256x416xf32>
    %mul3A_14 = arith.mulf %get3A_1, %concatenate3A_13 : vector<256x416xf32>
    %slice3A_15 = vector.extract_strided_slice %get3A_1 {offsets = [0, 80], sizes = [256, 336], strides = [1, 1]} : vector<256x416xf32> to vector<256x336xf32>
    %slice3A_16 = vector.extract_strided_slice %get3A_1 {offsets = [0, 0], sizes = [256, 80], strides = [1, 1]} : vector<256x416xf32> to vector<256x80xf32>
    %concatenate3A_17 = tpu.concatenate %slice3A_15, %slice3A_16 in 1 : vector<256x336xf32>, vector<256x80xf32> -> vector<256x416xf32>
    %mul3A_18 = arith.mulf %get3A_1, %concatenate3A_17 : vector<256x416xf32>
    %slice3A_19 = vector.extract_strided_slice %get3A_1 {offsets = [0, 96], sizes = [256, 320], strides = [1, 1]} : vector<256x416xf32> to vector<256x320xf32>
    %slice3A_20 = vector.extract_strided_slice %get3A_1 {offsets = [0, 0], sizes = [256, 96], strides = [1, 1]} : vector<256x416xf32> to vector<256x96xf32>
    %concatenate3A_21 = tpu.concatenate %slice3A_19, %slice3A_20 in 1 : vector<256x320xf32>, vector<256x96xf32> -> vector<256x416xf32>
    %mul3A_22 = arith.mulf %get3A_1, %concatenate3A_21 : vector<256x416xf32>
    %slice3A_23 = vector.extract_strided_slice %get3A_1 {offsets = [0, 112], sizes = [256, 304], strides = [1, 1]} : vector<256x416xf32> to vector<256x304xf32>
    %slice3A_24 = vector.extract_strided_slice %get3A_1 {offsets = [0, 0], sizes = [256, 112], strides = [1, 1]} : vector<256x416xf32> to vector<256x112xf32>
    %concatenate3A_25 = tpu.concatenate %slice3A_23, %slice3A_24 in 1 : vector<256x304xf32>, vector<256x112xf32> -> vector<256x416xf32>
    %mul3A_26 = arith.mulf %get3A_1, %concatenate3A_25 : vector<256x416xf32>
    %slice3A_27 = vector.extract_strided_slice %get3A_1 {offsets = [0, 128], sizes = [256, 288], strides = [1, 1]} : vector<256x416xf32> to vector<256x288xf32>
    %slice3A_28 = vector.extract_strided_slice %get3A_1 {offsets = [0, 0], sizes = [256, 128], strides = [1, 1]} : vector<256x416xf32> to vector<256x128xf32>
    %concatenate3A_29 = tpu.concatenate %slice3A_27, %slice3A_28 in 1 : vector<256x288xf32>, vector<256x128xf32> -> vector<256x416xf32>
    %mul3A_30 = arith.mulf %get3A_1, %concatenate3A_29 : vector<256x416xf32>
    %slice3A_31 = vector.extract_strided_slice %get3A_1 {offsets = [0, 144], sizes = [256, 272], strides = [1, 1]} : vector<256x416xf32> to vector<256x272xf32>
    %slice3A_32 = vector.extract_strided_slice %get3A_1 {offsets = [0, 0], sizes = [256, 144], strides = [1, 1]} : vector<256x416xf32> to vector<256x144xf32>
    %concatenate3A_33 = tpu.concatenate %slice3A_31, %slice3A_32 in 1 : vector<256x272xf32>, vector<256x144xf32> -> vector<256x416xf32>
    %mul3A_34 = arith.mulf %get3A_1, %concatenate3A_33 : vector<256x416xf32>
    %slice3A_35 = vector.extract_strided_slice %get3A_1 {offsets = [0, 160], sizes = [256, 256], strides = [1, 1]} : vector<256x416xf32> to vector<256x256xf32>
    %slice3A_36 = vector.extract_strided_slice %get3A_1 {offsets = [0, 0], sizes = [256, 160], strides = [1, 1]} : vector<256x416xf32> to vector<256x160xf32>
    %concatenate3A_37 = tpu.concatenate %slice3A_35, %slice3A_36 in 1 : vector<256x256xf32>, vector<256x160xf32> -> vector<256x416xf32>
    %mul3A_38 = arith.mulf %get3A_1, %concatenate3A_37 : vector<256x416xf32>
    %slice3A_39 = vector.extract_strided_slice %get3A_1 {offsets = [0, 176], sizes = [256, 240], strides = [1, 1]} : vector<256x416xf32> to vector<256x240xf32>
    %slice3A_40 = vector.extract_strided_slice %get3A_1 {offsets = [0, 0], sizes = [256, 176], strides = [1, 1]} : vector<256x416xf32> to vector<256x176xf32>
    %concatenate3A_41 = tpu.concatenate %slice3A_39, %slice3A_40 in 1 : vector<256x240xf32>, vector<256x176xf32> -> vector<256x416xf32>
    %mul3A_42 = arith.mulf %get3A_1, %concatenate3A_41 : vector<256x416xf32>
    %slice3A_43 = vector.extract_strided_slice %get3A_1 {offsets = [0, 192], sizes = [256, 224], strides = [1, 1]} : vector<256x416xf32> to vector<256x224xf32>
    %slice3A_44 = vector.extract_strided_slice %get3A_1 {offsets = [0, 0], sizes = [256, 192], strides = [1, 1]} : vector<256x416xf32> to vector<256x192xf32>
    %concatenate3A_45 = tpu.concatenate %slice3A_43, %slice3A_44 in 1 : vector<256x224xf32>, vector<256x192xf32> -> vector<256x416xf32>
    %mul3A_46 = arith.mulf %get3A_1, %concatenate3A_45 : vector<256x416xf32>
    %slice3A_47 = vector.extract_strided_slice %get3A_1 {offsets = [0, 208], sizes = [256, 208], strides = [1, 1]} : vector<256x416xf32> to vector<256x208xf32>
    %slice3A_48 = vector.extract_strided_slice %get3A_1 {offsets = [0, 0], sizes = [256, 208], strides = [1, 1]} : vector<256x416xf32> to vector<256x208xf32>
    %concatenate3A_49 = tpu.concatenate %slice3A_47, %slice3A_48 in 1 : vector<256x208xf32>, vector<256x208xf32> -> vector<256x416xf32>
    %mul3A_50 = arith.mulf %get3A_1, %concatenate3A_49 : vector<256x416xf32>
    %slice3A_51 = vector.extract_strided_slice %mul3A {offsets = [0, 0], sizes = [256, 256], strides = [1, 1]} : vector<256x416xf32> to vector<256x256xf32>
    %get3A_52 = arith.constant 0 : index
    %get3A_53 = arith.constant 0 : index
    %get3A_54 = vector.load %arg3[%get3A_52, %get3A_53] : memref<256x128xf32, #tpu.memory_space<vmem>>, vector<256x128xf32>
    %dot_general3A = arith.constant dense<0.000000e+00> : vector<256x128xf32>
    %dot_general3A_55 = tpu.matmul %slice3A_51, %get3A_54, %dot_general3A {dimension_numbers = #tpu.dot_dimension_numbers<[1], [0], [0], [1], [0, 0, 1, 1], [], []>, transpose_lhs_hint = false} : vector<256x256xf32>, vector<256x128xf32>, vector<256x128xf32> -> vector<256x128xf32>
    %get3A_56 = arith.constant 0 : index
    %get3A_57 = arith.constant 0 : index
    %get3A_58 = vector.load %arg5[%get3A_56, %get3A_57] : memref<1x128xf32, #tpu.memory_space<vmem>>, vector<1x128xf32>
    %add3A = vector.broadcast %get3A_58 : vector<1x128xf32> to vector<256x128xf32>
    %add3A_59 = arith.addf %dot_general3A_55, %add3A : vector<256x128xf32>
    %max3A = arith.constant 0.000000e+00 : f32
    %max3A_60 = vector.broadcast %max3A : f32 to vector<256x128xf32>
    %max3A_61 = arith.maximumf %add3A_59, %max3A_60 : vector<256x128xf32>
    %slice3A_62 = vector.extract_strided_slice %mul3A_6 {offsets = [0, 0], sizes = [256, 256], strides = [1, 1]} : vector<256x416xf32> to vector<256x256xf32>
    %get3A_63 = arith.constant 0 : index
    %get3A_64 = arith.constant 0 : index
    %get3A_65 = vector.load %arg3[%get3A_63, %get3A_64] : memref<256x128xf32, #tpu.memory_space<vmem>>, vector<256x128xf32>
    %dot_general3A_66 = arith.constant dense<0.000000e+00> : vector<256x128xf32>
    %dot_general3A_67 = tpu.matmul %slice3A_62, %get3A_65, %dot_general3A_66 {dimension_numbers = #tpu.dot_dimension_numbers<[1], [0], [0], [1], [0, 0, 1, 1], [], []>, transpose_lhs_hint = false} : vector<256x256xf32>, vector<256x128xf32>, vector<256x128xf32> -> vector<256x128xf32>
    %get3A_68 = arith.constant 0 : index
    %get3A_69 = arith.constant 0 : index
    %get3A_70 = vector.load %arg5[%get3A_68, %get3A_69] : memref<1x128xf32, #tpu.memory_space<vmem>>, vector<1x128xf32>
    %add3A_71 = vector.broadcast %get3A_70 : vector<1x128xf32> to vector<256x128xf32>
    %add3A_72 = arith.addf %dot_general3A_67, %add3A_71 : vector<256x128xf32>
    %max3A_73 = arith.constant 0.000000e+00 : f32
    %max3A_74 = vector.broadcast %max3A_73 : f32 to vector<256x128xf32>
    %max3A_75 = arith.maximumf %add3A_72, %max3A_74 : vector<256x128xf32>
    %slice3A_76 = vector.extract_strided_slice %mul3A_10 {offsets = [0, 0], sizes = [256, 256], strides = [1, 1]} : vector<256x416xf32> to vector<256x256xf32>
    %get3A_77 = arith.constant 0 : index
    %get3A_78 = arith.constant 0 : index
    %get3A_79 = vector.load %arg3[%get3A_77, %get3A_78] : memref<256x128xf32, #tpu.memory_space<vmem>>, vector<256x128xf32>
    %dot_general3A_80 = arith.constant dense<0.000000e+00> : vector<256x128xf32>
    %dot_general3A_81 = tpu.matmul %slice3A_76, %get3A_79, %dot_general3A_80 {dimension_numbers = #tpu.dot_dimension_numbers<[1], [0], [0], [1], [0, 0, 1, 1], [], []>, transpose_lhs_hint = false} : vector<256x256xf32>, vector<256x128xf32>, vector<256x128xf32> -> vector<256x128xf32>
    %get3A_82 = arith.constant 0 : index
    %get3A_83 = arith.constant 0 : index
    %get3A_84 = vector.load %arg5[%get3A_82, %get3A_83] : memref<1x128xf32, #tpu.memory_space<vmem>>, vector<1x128xf32>
    %add3A_85 = vector.broadcast %get3A_84 : vector<1x128xf32> to vector<256x128xf32>
    %add3A_86 = arith.addf %dot_general3A_81, %add3A_85 : vector<256x128xf32>
    %max3A_87 = arith.constant 0.000000e+00 : f32
    %max3A_88 = vector.broadcast %max3A_87 : f32 to vector<256x128xf32>
    %max3A_89 = arith.maximumf %add3A_86, %max3A_88 : vector<256x128xf32>
    %slice3A_90 = vector.extract_strided_slice %mul3A_14 {offsets = [0, 0], sizes = [256, 256], strides = [1, 1]} : vector<256x416xf32> to vector<256x256xf32>
    %get3A_91 = arith.constant 0 : index
    %get3A_92 = arith.constant 0 : index
    %get3A_93 = vector.load %arg3[%get3A_91, %get3A_92] : memref<256x128xf32, #tpu.memory_space<vmem>>, vector<256x128xf32>
    %dot_general3A_94 = arith.constant dense<0.000000e+00> : vector<256x128xf32>
    %dot_general3A_95 = tpu.matmul %slice3A_90, %get3A_93, %dot_general3A_94 {dimension_numbers = #tpu.dot_dimension_numbers<[1], [0], [0], [1], [0, 0, 1, 1], [], []>, transpose_lhs_hint = false} : vector<256x256xf32>, vector<256x128xf32>, vector<256x128xf32> -> vector<256x128xf32>
    %get3A_96 = arith.constant 0 : index
    %get3A_97 = arith.constant 0 : index
    %get3A_98 = vector.load %arg5[%get3A_96, %get3A_97] : memref<1x128xf32, #tpu.memory_space<vmem>>, vector<1x128xf32>
    %add3A_99 = vector.broadcast %get3A_98 : vector<1x128xf32> to vector<256x128xf32>
    %add3A_100 = arith.addf %dot_general3A_95, %add3A_99 : vector<256x128xf32>
    %max3A_101 = arith.constant 0.000000e+00 : f32
    %max3A_102 = vector.broadcast %max3A_101 : f32 to vector<256x128xf32>
    %max3A_103 = arith.maximumf %add3A_100, %max3A_102 : vector<256x128xf32>
    %slice3A_104 = vector.extract_strided_slice %mul3A_18 {offsets = [0, 0], sizes = [256, 256], strides = [1, 1]} : vector<256x416xf32> to vector<256x256xf32>
    %get3A_105 = arith.constant 0 : index
    %get3A_106 = arith.constant 0 : index
    %get3A_107 = vector.load %arg3[%get3A_105, %get3A_106] : memref<256x128xf32, #tpu.memory_space<vmem>>, vector<256x128xf32>
    %dot_general3A_108 = arith.constant dense<0.000000e+00> : vector<256x128xf32>
    %dot_general3A_109 = tpu.matmul %slice3A_104, %get3A_107, %dot_general3A_108 {dimension_numbers = #tpu.dot_dimension_numbers<[1], [0], [0], [1], [0, 0, 1, 1], [], []>, transpose_lhs_hint = false} : vector<256x256xf32>, vector<256x128xf32>, vector<256x128xf32> -> vector<256x128xf32>
    %get3A_110 = arith.constant 0 : index
    %get3A_111 = arith.constant 0 : index
    %get3A_112 = vector.load %arg5[%get3A_110, %get3A_111] : memref<1x128xf32, #tpu.memory_space<vmem>>, vector<1x128xf32>
    %add3A_113 = vector.broadcast %get3A_112 : vector<1x128xf32> to vector<256x128xf32>
    %add3A_114 = arith.addf %dot_general3A_109, %add3A_113 : vector<256x128xf32>
    %max3A_115 = arith.constant 0.000000e+00 : f32
    %max3A_116 = vector.broadcast %max3A_115 : f32 to vector<256x128xf32>
    %max3A_117 = arith.maximumf %add3A_114, %max3A_116 : vector<256x128xf32>
    %slice3A_118 = vector.extract_strided_slice %mul3A_22 {offsets = [0, 0], sizes = [256, 256], strides = [1, 1]} : vector<256x416xf32> to vector<256x256xf32>
    %get3A_119 = arith.constant 0 : index
    %get3A_120 = arith.constant 0 : index
    %get3A_121 = vector.load %arg3[%get3A_119, %get3A_120] : memref<256x128xf32, #tpu.memory_space<vmem>>, vector<256x128xf32>
    %dot_general3A_122 = arith.constant dense<0.000000e+00> : vector<256x128xf32>
    %dot_general3A_123 = tpu.matmul %slice3A_118, %get3A_121, %dot_general3A_122 {dimension_numbers = #tpu.dot_dimension_numbers<[1], [0], [0], [1], [0, 0, 1, 1], [], []>, transpose_lhs_hint = false} : vector<256x256xf32>, vector<256x128xf32>, vector<256x128xf32> -> vector<256x128xf32>
    %get3A_124 = arith.constant 0 : index
    %get3A_125 = arith.constant 0 : index
    %get3A_126 = vector.load %arg5[%get3A_124, %get3A_125] : memref<1x128xf32, #tpu.memory_space<vmem>>, vector<1x128xf32>
    %add3A_127 = vector.broadcast %get3A_126 : vector<1x128xf32> to vector<256x128xf32>
    %add3A_128 = arith.addf %dot_general3A_123, %add3A_127 : vector<256x128xf32>
    %max3A_129 = arith.constant 0.000000e+00 : f32
    %max3A_130 = vector.broadcast %max3A_129 : f32 to vector<256x128xf32>
    %max3A_131 = arith.maximumf %add3A_128, %max3A_130 : vector<256x128xf32>
    %slice3A_132 = vector.extract_strided_slice %mul3A_26 {offsets = [0, 0], sizes = [256, 256], strides = [1, 1]} : vector<256x416xf32> to vector<256x256xf32>
    %get3A_133 = arith.constant 0 : index
    %get3A_134 = arith.constant 0 : index
    %get3A_135 = vector.load %arg3[%get3A_133, %get3A_134] : memref<256x128xf32, #tpu.memory_space<vmem>>, vector<256x128xf32>
    %dot_general3A_136 = arith.constant dense<0.000000e+00> : vector<256x128xf32>
    %dot_general3A_137 = tpu.matmul %slice3A_132, %get3A_135, %dot_general3A_136 {dimension_numbers = #tpu.dot_dimension_numbers<[1], [0], [0], [1], [0, 0, 1, 1], [], []>, transpose_lhs_hint = false} : vector<256x256xf32>, vector<256x128xf32>, vector<256x128xf32> -> vector<256x128xf32>
    %get3A_138 = arith.constant 0 : index
    %get3A_139 = arith.constant 0 : index
    %get3A_140 = vector.load %arg5[%get3A_138, %get3A_139] : memref<1x128xf32, #tpu.memory_space<vmem>>, vector<1x128xf32>
    %add3A_141 = vector.broadcast %get3A_140 : vector<1x128xf32> to vector<256x128xf32>
    %add3A_142 = arith.addf %dot_general3A_137, %add3A_141 : vector<256x128xf32>
    %max3A_143 = arith.constant 0.000000e+00 : f32
    %max3A_144 = vector.broadcast %max3A_143 : f32 to vector<256x128xf32>
    %max3A_145 = arith.maximumf %add3A_142, %max3A_144 : vector<256x128xf32>
    %slice3A_146 = vector.extract_strided_slice %mul3A_30 {offsets = [0, 0], sizes = [256, 256], strides = [1, 1]} : vector<256x416xf32> to vector<256x256xf32>
    %get3A_147 = arith.constant 0 : index
    %get3A_148 = arith.constant 0 : index
    %get3A_149 = vector.load %arg3[%get3A_147, %get3A_148] : memref<256x128xf32, #tpu.memory_space<vmem>>, vector<256x128xf32>
    %dot_general3A_150 = arith.constant dense<0.000000e+00> : vector<256x128xf32>
    %dot_general3A_151 = tpu.matmul %slice3A_146, %get3A_149, %dot_general3A_150 {dimension_numbers = #tpu.dot_dimension_numbers<[1], [0], [0], [1], [0, 0, 1, 1], [], []>, transpose_lhs_hint = false} : vector<256x256xf32>, vector<256x128xf32>, vector<256x128xf32> -> vector<256x128xf32>
    %get3A_152 = arith.constant 0 : index
    %get3A_153 = arith.constant 0 : index
    %get3A_154 = vector.load %arg5[%get3A_152, %get3A_153] : memref<1x128xf32, #tpu.memory_space<vmem>>, vector<1x128xf32>
    %add3A_155 = vector.broadcast %get3A_154 : vector<1x128xf32> to vector<256x128xf32>
    %add3A_156 = arith.addf %dot_general3A_151, %add3A_155 : vector<256x128xf32>
    %max3A_157 = arith.constant 0.000000e+00 : f32
    %max3A_158 = vector.broadcast %max3A_157 : f32 to vector<256x128xf32>
    %max3A_159 = arith.maximumf %add3A_156, %max3A_158 : vector<256x128xf32>
    %slice3A_160 = vector.extract_strided_slice %mul3A_34 {offsets = [0, 0], sizes = [256, 256], strides = [1, 1]} : vector<256x416xf32> to vector<256x256xf32>
    %get3A_161 = arith.constant 0 : index
    %get3A_162 = arith.constant 0 : index
    %get3A_163 = vector.load %arg3[%get3A_161, %get3A_162] : memref<256x128xf32, #tpu.memory_space<vmem>>, vector<256x128xf32>
    %dot_general3A_164 = arith.constant dense<0.000000e+00> : vector<256x128xf32>
    %dot_general3A_165 = tpu.matmul %slice3A_160, %get3A_163, %dot_general3A_164 {dimension_numbers = #tpu.dot_dimension_numbers<[1], [0], [0], [1], [0, 0, 1, 1], [], []>, transpose_lhs_hint = false} : vector<256x256xf32>, vector<256x128xf32>, vector<256x128xf32> -> vector<256x128xf32>
    %get3A_166 = arith.constant 0 : index
    %get3A_167 = arith.constant 0 : index
    %get3A_168 = vector.load %arg5[%get3A_166, %get3A_167] : memref<1x128xf32, #tpu.memory_space<vmem>>, vector<1x128xf32>
    %add3A_169 = vector.broadcast %get3A_168 : vector<1x128xf32> to vector<256x128xf32>
    %add3A_170 = arith.addf %dot_general3A_165, %add3A_169 : vector<256x128xf32>
    %max3A_171 = arith.constant 0.000000e+00 : f32
    %max3A_172 = vector.broadcast %max3A_171 : f32 to vector<256x128xf32>
    %max3A_173 = arith.maximumf %add3A_170, %max3A_172 : vector<256x128xf32>
    %slice3A_174 = vector.extract_strided_slice %mul3A_38 {offsets = [0, 0], sizes = [256, 256], strides = [1, 1]} : vector<256x416xf32> to vector<256x256xf32>
    %get3A_175 = arith.constant 0 : index
    %get3A_176 = arith.constant 0 : index
    %get3A_177 = vector.load %arg3[%get3A_175, %get3A_176] : memref<256x128xf32, #tpu.memory_space<vmem>>, vector<256x128xf32>
    %dot_general3A_178 = arith.constant dense<0.000000e+00> : vector<256x128xf32>
    %dot_general3A_179 = tpu.matmul %slice3A_174, %get3A_177, %dot_general3A_178 {dimension_numbers = #tpu.dot_dimension_numbers<[1], [0], [0], [1], [0, 0, 1, 1], [], []>, transpose_lhs_hint = false} : vector<256x256xf32>, vector<256x128xf32>, vector<256x128xf32> -> vector<256x128xf32>
    %get3A_180 = arith.constant 0 : index
    %get3A_181 = arith.constant 0 : index
    %get3A_182 = vector.load %arg5[%get3A_180, %get3A_181] : memref<1x128xf32, #tpu.memory_space<vmem>>, vector<1x128xf32>
    %add3A_183 = vector.broadcast %get3A_182 : vector<1x128xf32> to vector<256x128xf32>
    %add3A_184 = arith.addf %dot_general3A_179, %add3A_183 : vector<256x128xf32>
    %max3A_185 = arith.constant 0.000000e+00 : f32
    %max3A_186 = vector.broadcast %max3A_185 : f32 to vector<256x128xf32>
    %max3A_187 = arith.maximumf %add3A_184, %max3A_186 : vector<256x128xf32>
    %slice3A_188 = vector.extract_strided_slice %mul3A_42 {offsets = [0, 0], sizes = [256, 256], strides = [1, 1]} : vector<256x416xf32> to vector<256x256xf32>
    %get3A_189 = arith.constant 0 : index
    %get3A_190 = arith.constant 0 : index
    %get3A_191 = vector.load %arg3[%get3A_189, %get3A_190] : memref<256x128xf32, #tpu.memory_space<vmem>>, vector<256x128xf32>
    %dot_general3A_192 = arith.constant dense<0.000000e+00> : vector<256x128xf32>
    %dot_general3A_193 = tpu.matmul %slice3A_188, %get3A_191, %dot_general3A_192 {dimension_numbers = #tpu.dot_dimension_numbers<[1], [0], [0], [1], [0, 0, 1, 1], [], []>, transpose_lhs_hint = false} : vector<256x256xf32>, vector<256x128xf32>, vector<256x128xf32> -> vector<256x128xf32>
    %get3A_194 = arith.constant 0 : index
    %get3A_195 = arith.constant 0 : index
    %get3A_196 = vector.load %arg5[%get3A_194, %get3A_195] : memref<1x128xf32, #tpu.memory_space<vmem>>, vector<1x128xf32>
    %add3A_197 = vector.broadcast %get3A_196 : vector<1x128xf32> to vector<256x128xf32>
    %add3A_198 = arith.addf %dot_general3A_193, %add3A_197 : vector<256x128xf32>
    %max3A_199 = arith.constant 0.000000e+00 : f32
    %max3A_200 = vector.broadcast %max3A_199 : f32 to vector<256x128xf32>
    %max3A_201 = arith.maximumf %add3A_198, %max3A_200 : vector<256x128xf32>
    %slice3A_202 = vector.extract_strided_slice %mul3A_46 {offsets = [0, 0], sizes = [256, 256], strides = [1, 1]} : vector<256x416xf32> to vector<256x256xf32>
    %get3A_203 = arith.constant 0 : index
    %get3A_204 = arith.constant 0 : index
    %get3A_205 = vector.load %arg3[%get3A_203, %get3A_204] : memref<256x128xf32, #tpu.memory_space<vmem>>, vector<256x128xf32>
    %dot_general3A_206 = arith.constant dense<0.000000e+00> : vector<256x128xf32>
    %dot_general3A_207 = tpu.matmul %slice3A_202, %get3A_205, %dot_general3A_206 {dimension_numbers = #tpu.dot_dimension_numbers<[1], [0], [0], [1], [0, 0, 1, 1], [], []>, transpose_lhs_hint = false} : vector<256x256xf32>, vector<256x128xf32>, vector<256x128xf32> -> vector<256x128xf32>
    %get3A_208 = arith.constant 0 : index
    %get3A_209 = arith.constant 0 : index
    %get3A_210 = vector.load %arg5[%get3A_208, %get3A_209] : memref<1x128xf32, #tpu.memory_space<vmem>>, vector<1x128xf32>
    %add3A_211 = vector.broadcast %get3A_210 : vector<1x128xf32> to vector<256x128xf32>
    %add3A_212 = arith.addf %dot_general3A_207, %add3A_211 : vector<256x128xf32>
    %max3A_213 = arith.constant 0.000000e+00 : f32
    %max3A_214 = vector.broadcast %max3A_213 : f32 to vector<256x128xf32>
    %max3A_215 = arith.maximumf %add3A_212, %max3A_214 : vector<256x128xf32>
    %slice3A_216 = vector.extract_strided_slice %mul3A_50 {offsets = [0, 0], sizes = [256, 256], strides = [1, 1]} : vector<256x416xf32> to vector<256x256xf32>
    %get3A_217 = arith.constant 0 : index
    %get3A_218 = arith.constant 0 : index
    %get3A_219 = vector.load %arg3[%get3A_217, %get3A_218] : memref<256x128xf32, #tpu.memory_space<vmem>>, vector<256x128xf32>
    %dot_general3A_220 = arith.constant dense<0.000000e+00> : vector<256x128xf32>
    %dot_general3A_221 = tpu.matmul %slice3A_216, %get3A_219, %dot_general3A_220 {dimension_numbers = #tpu.dot_dimension_numbers<[1], [0], [0], [1], [0, 0, 1, 1], [], []>, transpose_lhs_hint = false} : vector<256x256xf32>, vector<256x128xf32>, vector<256x128xf32> -> vector<256x128xf32>
    %get3A_222 = arith.constant 0 : index
    %get3A_223 = arith.constant 0 : index
    %get3A_224 = vector.load %arg5[%get3A_222, %get3A_223] : memref<1x128xf32, #tpu.memory_space<vmem>>, vector<1x128xf32>
    %add3A_225 = vector.broadcast %get3A_224 : vector<1x128xf32> to vector<256x128xf32>
    %add3A_226 = arith.addf %dot_general3A_221, %add3A_225 : vector<256x128xf32>
    %max3A_227 = arith.constant 0.000000e+00 : f32
    %max3A_228 = vector.broadcast %max3A_227 : f32 to vector<256x128xf32>
    %max3A_229 = arith.maximumf %add3A_226, %max3A_228 : vector<256x128xf32>
    %slice3A_230 = vector.extract_strided_slice %mul3A {offsets = [0, 256], sizes = [256, 160], strides = [1, 1]} : vector<256x416xf32> to vector<256x160xf32>
    %get3A_231 = arith.constant 0 : index
    %get3A_232 = arith.constant 0 : index
    %get3A_233 = vector.load %arg4[%get3A_231, %get3A_232] : memref<160x128xf32, #tpu.memory_space<vmem>>, vector<160x128xf32>
    %dot_general3A_234 = arith.constant dense<0.000000e+00> : vector<256x128xf32>
    %dot_general3A_235 = tpu.matmul %slice3A_230, %get3A_233, %dot_general3A_234 {dimension_numbers = #tpu.dot_dimension_numbers<[1], [0], [0], [1], [0, 0, 1, 1], [], []>, transpose_lhs_hint = false} : vector<256x160xf32>, vector<160x128xf32>, vector<256x128xf32> -> vector<256x128xf32>
    %get3A_236 = arith.constant 0 : index
    %get3A_237 = arith.constant 0 : index
    %get3A_238 = vector.load %arg5[%get3A_236, %get3A_237] : memref<1x128xf32, #tpu.memory_space<vmem>>, vector<1x128xf32>
    %add3A_239 = vector.broadcast %get3A_238 : vector<1x128xf32> to vector<256x128xf32>
    %add3A_240 = arith.addf %dot_general3A_235, %add3A_239 : vector<256x128xf32>
    %max3A_241 = arith.constant 0.000000e+00 : f32
    %max3A_242 = vector.broadcast %max3A_241 : f32 to vector<256x128xf32>
    %max3A_243 = arith.maximumf %add3A_240, %max3A_242 : vector<256x128xf32>
    %slice3A_244 = vector.extract_strided_slice %mul3A_6 {offsets = [0, 256], sizes = [256, 160], strides = [1, 1]} : vector<256x416xf32> to vector<256x160xf32>
    %get3A_245 = arith.constant 0 : index
    %get3A_246 = arith.constant 0 : index
    %get3A_247 = vector.load %arg4[%get3A_245, %get3A_246] : memref<160x128xf32, #tpu.memory_space<vmem>>, vector<160x128xf32>
    %dot_general3A_248 = arith.constant dense<0.000000e+00> : vector<256x128xf32>
    %dot_general3A_249 = tpu.matmul %slice3A_244, %get3A_247, %dot_general3A_248 {dimension_numbers = #tpu.dot_dimension_numbers<[1], [0], [0], [1], [0, 0, 1, 1], [], []>, transpose_lhs_hint = false} : vector<256x160xf32>, vector<160x128xf32>, vector<256x128xf32> -> vector<256x128xf32>
    %get3A_250 = arith.constant 0 : index
    %get3A_251 = arith.constant 0 : index
    %get3A_252 = vector.load %arg5[%get3A_250, %get3A_251] : memref<1x128xf32, #tpu.memory_space<vmem>>, vector<1x128xf32>
    %add3A_253 = vector.broadcast %get3A_252 : vector<1x128xf32> to vector<256x128xf32>
    %add3A_254 = arith.addf %dot_general3A_249, %add3A_253 : vector<256x128xf32>
    %max3A_255 = arith.constant 0.000000e+00 : f32
    %max3A_256 = vector.broadcast %max3A_255 : f32 to vector<256x128xf32>
    %max3A_257 = arith.maximumf %add3A_254, %max3A_256 : vector<256x128xf32>
    %slice3A_258 = vector.extract_strided_slice %mul3A_10 {offsets = [0, 256], sizes = [256, 160], strides = [1, 1]} : vector<256x416xf32> to vector<256x160xf32>
    %get3A_259 = arith.constant 0 : index
    %get3A_260 = arith.constant 0 : index
    %get3A_261 = vector.load %arg4[%get3A_259, %get3A_260] : memref<160x128xf32, #tpu.memory_space<vmem>>, vector<160x128xf32>
    %dot_general3A_262 = arith.constant dense<0.000000e+00> : vector<256x128xf32>
    %dot_general3A_263 = tpu.matmul %slice3A_258, %get3A_261, %dot_general3A_262 {dimension_numbers = #tpu.dot_dimension_numbers<[1], [0], [0], [1], [0, 0, 1, 1], [], []>, transpose_lhs_hint = false} : vector<256x160xf32>, vector<160x128xf32>, vector<256x128xf32> -> vector<256x128xf32>
    %get3A_264 = arith.constant 0 : index
    %get3A_265 = arith.constant 0 : index
    %get3A_266 = vector.load %arg5[%get3A_264, %get3A_265] : memref<1x128xf32, #tpu.memory_space<vmem>>, vector<1x128xf32>
    %add3A_267 = vector.broadcast %get3A_266 : vector<1x128xf32> to vector<256x128xf32>
    %add3A_268 = arith.addf %dot_general3A_263, %add3A_267 : vector<256x128xf32>
    %max3A_269 = arith.constant 0.000000e+00 : f32
    %max3A_270 = vector.broadcast %max3A_269 : f32 to vector<256x128xf32>
    %max3A_271 = arith.maximumf %add3A_268, %max3A_270 : vector<256x128xf32>
    %slice3A_272 = vector.extract_strided_slice %mul3A_14 {offsets = [0, 256], sizes = [256, 160], strides = [1, 1]} : vector<256x416xf32> to vector<256x160xf32>
    %get3A_273 = arith.constant 0 : index
    %get3A_274 = arith.constant 0 : index
    %get3A_275 = vector.load %arg4[%get3A_273, %get3A_274] : memref<160x128xf32, #tpu.memory_space<vmem>>, vector<160x128xf32>
    %dot_general3A_276 = arith.constant dense<0.000000e+00> : vector<256x128xf32>
    %dot_general3A_277 = tpu.matmul %slice3A_272, %get3A_275, %dot_general3A_276 {dimension_numbers = #tpu.dot_dimension_numbers<[1], [0], [0], [1], [0, 0, 1, 1], [], []>, transpose_lhs_hint = false} : vector<256x160xf32>, vector<160x128xf32>, vector<256x128xf32> -> vector<256x128xf32>
    %get3A_278 = arith.constant 0 : index
    %get3A_279 = arith.constant 0 : index
    %get3A_280 = vector.load %arg5[%get3A_278, %get3A_279] : memref<1x128xf32, #tpu.memory_space<vmem>>, vector<1x128xf32>
    %add3A_281 = vector.broadcast %get3A_280 : vector<1x128xf32> to vector<256x128xf32>
    %add3A_282 = arith.addf %dot_general3A_277, %add3A_281 : vector<256x128xf32>
    %max3A_283 = arith.constant 0.000000e+00 : f32
    %max3A_284 = vector.broadcast %max3A_283 : f32 to vector<256x128xf32>
    %max3A_285 = arith.maximumf %add3A_282, %max3A_284 : vector<256x128xf32>
    %slice3A_286 = vector.extract_strided_slice %mul3A_18 {offsets = [0, 256], sizes = [256, 160], strides = [1, 1]} : vector<256x416xf32> to vector<256x160xf32>
    %get3A_287 = arith.constant 0 : index
    %get3A_288 = arith.constant 0 : index
    %get3A_289 = vector.load %arg4[%get3A_287, %get3A_288] : memref<160x128xf32, #tpu.memory_space<vmem>>, vector<160x128xf32>
    %dot_general3A_290 = arith.constant dense<0.000000e+00> : vector<256x128xf32>
    %dot_general3A_291 = tpu.matmul %slice3A_286, %get3A_289, %dot_general3A_290 {dimension_numbers = #tpu.dot_dimension_numbers<[1], [0], [0], [1], [0, 0, 1, 1], [], []>, transpose_lhs_hint = false} : vector<256x160xf32>, vector<160x128xf32>, vector<256x128xf32> -> vector<256x128xf32>
    %get3A_292 = arith.constant 0 : index
    %get3A_293 = arith.constant 0 : index
    %get3A_294 = vector.load %arg5[%get3A_292, %get3A_293] : memref<1x128xf32, #tpu.memory_space<vmem>>, vector<1x128xf32>
    %add3A_295 = vector.broadcast %get3A_294 : vector<1x128xf32> to vector<256x128xf32>
    %add3A_296 = arith.addf %dot_general3A_291, %add3A_295 : vector<256x128xf32>
    %max3A_297 = arith.constant 0.000000e+00 : f32
    %max3A_298 = vector.broadcast %max3A_297 : f32 to vector<256x128xf32>
    %max3A_299 = arith.maximumf %add3A_296, %max3A_298 : vector<256x128xf32>
    %slice3A_300 = vector.extract_strided_slice %mul3A_22 {offsets = [0, 256], sizes = [256, 160], strides = [1, 1]} : vector<256x416xf32> to vector<256x160xf32>
    %get3A_301 = arith.constant 0 : index
    %get3A_302 = arith.constant 0 : index
    %get3A_303 = vector.load %arg4[%get3A_301, %get3A_302] : memref<160x128xf32, #tpu.memory_space<vmem>>, vector<160x128xf32>
    %dot_general3A_304 = arith.constant dense<0.000000e+00> : vector<256x128xf32>
    %dot_general3A_305 = tpu.matmul %slice3A_300, %get3A_303, %dot_general3A_304 {dimension_numbers = #tpu.dot_dimension_numbers<[1], [0], [0], [1], [0, 0, 1, 1], [], []>, transpose_lhs_hint = false} : vector<256x160xf32>, vector<160x128xf32>, vector<256x128xf32> -> vector<256x128xf32>
    %get3A_306 = arith.constant 0 : index
    %get3A_307 = arith.constant 0 : index
    %get3A_308 = vector.load %arg5[%get3A_306, %get3A_307] : memref<1x128xf32, #tpu.memory_space<vmem>>, vector<1x128xf32>
    %add3A_309 = vector.broadcast %get3A_308 : vector<1x128xf32> to vector<256x128xf32>
    %add3A_310 = arith.addf %dot_general3A_305, %add3A_309 : vector<256x128xf32>
    %max3A_311 = arith.constant 0.000000e+00 : f32
    %max3A_312 = vector.broadcast %max3A_311 : f32 to vector<256x128xf32>
    %max3A_313 = arith.maximumf %add3A_310, %max3A_312 : vector<256x128xf32>
    %slice3A_314 = vector.extract_strided_slice %mul3A_26 {offsets = [0, 256], sizes = [256, 160], strides = [1, 1]} : vector<256x416xf32> to vector<256x160xf32>
    %get3A_315 = arith.constant 0 : index
    %get3A_316 = arith.constant 0 : index
    %get3A_317 = vector.load %arg4[%get3A_315, %get3A_316] : memref<160x128xf32, #tpu.memory_space<vmem>>, vector<160x128xf32>
    %dot_general3A_318 = arith.constant dense<0.000000e+00> : vector<256x128xf32>
    %dot_general3A_319 = tpu.matmul %slice3A_314, %get3A_317, %dot_general3A_318 {dimension_numbers = #tpu.dot_dimension_numbers<[1], [0], [0], [1], [0, 0, 1, 1], [], []>, transpose_lhs_hint = false} : vector<256x160xf32>, vector<160x128xf32>, vector<256x128xf32> -> vector<256x128xf32>
    %get3A_320 = arith.constant 0 : index
    %get3A_321 = arith.constant 0 : index
    %get3A_322 = vector.load %arg5[%get3A_320, %get3A_321] : memref<1x128xf32, #tpu.memory_space<vmem>>, vector<1x128xf32>
    %add3A_323 = vector.broadcast %get3A_322 : vector<1x128xf32> to vector<256x128xf32>
    %add3A_324 = arith.addf %dot_general3A_319, %add3A_323 : vector<256x128xf32>
    %max3A_325 = arith.constant 0.000000e+00 : f32
    %max3A_326 = vector.broadcast %max3A_325 : f32 to vector<256x128xf32>
    %max3A_327 = arith.maximumf %add3A_324, %max3A_326 : vector<256x128xf32>
    %slice3A_328 = vector.extract_strided_slice %mul3A_30 {offsets = [0, 256], sizes = [256, 160], strides = [1, 1]} : vector<256x416xf32> to vector<256x160xf32>
    %get3A_329 = arith.constant 0 : index
    %get3A_330 = arith.constant 0 : index
    %get3A_331 = vector.load %arg4[%get3A_329, %get3A_330] : memref<160x128xf32, #tpu.memory_space<vmem>>, vector<160x128xf32>
    %dot_general3A_332 = arith.constant dense<0.000000e+00> : vector<256x128xf32>
    %dot_general3A_333 = tpu.matmul %slice3A_328, %get3A_331, %dot_general3A_332 {dimension_numbers = #tpu.dot_dimension_numbers<[1], [0], [0], [1], [0, 0, 1, 1], [], []>, transpose_lhs_hint = false} : vector<256x160xf32>, vector<160x128xf32>, vector<256x128xf32> -> vector<256x128xf32>
    %get3A_334 = arith.constant 0 : index
    %get3A_335 = arith.constant 0 : index
    %get3A_336 = vector.load %arg5[%get3A_334, %get3A_335] : memref<1x128xf32, #tpu.memory_space<vmem>>, vector<1x128xf32>
    %add3A_337 = vector.broadcast %get3A_336 : vector<1x128xf32> to vector<256x128xf32>
    %add3A_338 = arith.addf %dot_general3A_333, %add3A_337 : vector<256x128xf32>
    %max3A_339 = arith.constant 0.000000e+00 : f32
    %max3A_340 = vector.broadcast %max3A_339 : f32 to vector<256x128xf32>
    %max3A_341 = arith.maximumf %add3A_338, %max3A_340 : vector<256x128xf32>
    %slice3A_342 = vector.extract_strided_slice %mul3A_34 {offsets = [0, 256], sizes = [256, 160], strides = [1, 1]} : vector<256x416xf32> to vector<256x160xf32>
    %get3A_343 = arith.constant 0 : index
    %get3A_344 = arith.constant 0 : index
    %get3A_345 = vector.load %arg4[%get3A_343, %get3A_344] : memref<160x128xf32, #tpu.memory_space<vmem>>, vector<160x128xf32>
    %dot_general3A_346 = arith.constant dense<0.000000e+00> : vector<256x128xf32>
    %dot_general3A_347 = tpu.matmul %slice3A_342, %get3A_345, %dot_general3A_346 {dimension_numbers = #tpu.dot_dimension_numbers<[1], [0], [0], [1], [0, 0, 1, 1], [], []>, transpose_lhs_hint = false} : vector<256x160xf32>, vector<160x128xf32>, vector<256x128xf32> -> vector<256x128xf32>
    %get3A_348 = arith.constant 0 : index
    %get3A_349 = arith.constant 0 : index
    %get3A_350 = vector.load %arg5[%get3A_348, %get3A_349] : memref<1x128xf32, #tpu.memory_space<vmem>>, vector<1x128xf32>
    %add3A_351 = vector.broadcast %get3A_350 : vector<1x128xf32> to vector<256x128xf32>
    %add3A_352 = arith.addf %dot_general3A_347, %add3A_351 : vector<256x128xf32>
    %max3A_353 = arith.constant 0.000000e+00 : f32
    %max3A_354 = vector.broadcast %max3A_353 : f32 to vector<256x128xf32>
    %max3A_355 = arith.maximumf %add3A_352, %max3A_354 : vector<256x128xf32>
    %slice3A_356 = vector.extract_strided_slice %mul3A_38 {offsets = [0, 256], sizes = [256, 160], strides = [1, 1]} : vector<256x416xf32> to vector<256x160xf32>
    %get3A_357 = arith.constant 0 : index
    %get3A_358 = arith.constant 0 : index
    %get3A_359 = vector.load %arg4[%get3A_357, %get3A_358] : memref<160x128xf32, #tpu.memory_space<vmem>>, vector<160x128xf32>
    %dot_general3A_360 = arith.constant dense<0.000000e+00> : vector<256x128xf32>
    %dot_general3A_361 = tpu.matmul %slice3A_356, %get3A_359, %dot_general3A_360 {dimension_numbers = #tpu.dot_dimension_numbers<[1], [0], [0], [1], [0, 0, 1, 1], [], []>, transpose_lhs_hint = false} : vector<256x160xf32>, vector<160x128xf32>, vector<256x128xf32> -> vector<256x128xf32>
    %get3A_362 = arith.constant 0 : index
    %get3A_363 = arith.constant 0 : index
    %get3A_364 = vector.load %arg5[%get3A_362, %get3A_363] : memref<1x128xf32, #tpu.memory_space<vmem>>, vector<1x128xf32>
    %add3A_365 = vector.broadcast %get3A_364 : vector<1x128xf32> to vector<256x128xf32>
    %add3A_366 = arith.addf %dot_general3A_361, %add3A_365 : vector<256x128xf32>
    %max3A_367 = arith.constant 0.000000e+00 : f32
    %max3A_368 = vector.broadcast %max3A_367 : f32 to vector<256x128xf32>
    %max3A_369 = arith.maximumf %add3A_366, %max3A_368 : vector<256x128xf32>
    %slice3A_370 = vector.extract_strided_slice %mul3A_42 {offsets = [0, 256], sizes = [256, 160], strides = [1, 1]} : vector<256x416xf32> to vector<256x160xf32>
    %get3A_371 = arith.constant 0 : index
    %get3A_372 = arith.constant 0 : index
    %get3A_373 = vector.load %arg4[%get3A_371, %get3A_372] : memref<160x128xf32, #tpu.memory_space<vmem>>, vector<160x128xf32>
    %dot_general3A_374 = arith.constant dense<0.000000e+00> : vector<256x128xf32>
    %dot_general3A_375 = tpu.matmul %slice3A_370, %get3A_373, %dot_general3A_374 {dimension_numbers = #tpu.dot_dimension_numbers<[1], [0], [0], [1], [0, 0, 1, 1], [], []>, transpose_lhs_hint = false} : vector<256x160xf32>, vector<160x128xf32>, vector<256x128xf32> -> vector<256x128xf32>
    %get3A_376 = arith.constant 0 : index
    %get3A_377 = arith.constant 0 : index
    %get3A_378 = vector.load %arg5[%get3A_376, %get3A_377] : memref<1x128xf32, #tpu.memory_space<vmem>>, vector<1x128xf32>
    %add3A_379 = vector.broadcast %get3A_378 : vector<1x128xf32> to vector<256x128xf32>
    %add3A_380 = arith.addf %dot_general3A_375, %add3A_379 : vector<256x128xf32>
    %max3A_381 = arith.constant 0.000000e+00 : f32
    %max3A_382 = vector.broadcast %max3A_381 : f32 to vector<256x128xf32>
    %max3A_383 = arith.maximumf %add3A_380, %max3A_382 : vector<256x128xf32>
    %slice3A_384 = vector.extract_strided_slice %mul3A_46 {offsets = [0, 256], sizes = [256, 160], strides = [1, 1]} : vector<256x416xf32> to vector<256x160xf32>
    %get3A_385 = arith.constant 0 : index
    %get3A_386 = arith.constant 0 : index
    %get3A_387 = vector.load %arg4[%get3A_385, %get3A_386] : memref<160x128xf32, #tpu.memory_space<vmem>>, vector<160x128xf32>
    %dot_general3A_388 = arith.constant dense<0.000000e+00> : vector<256x128xf32>
    %dot_general3A_389 = tpu.matmul %slice3A_384, %get3A_387, %dot_general3A_388 {dimension_numbers = #tpu.dot_dimension_numbers<[1], [0], [0], [1], [0, 0, 1, 1], [], []>, transpose_lhs_hint = false} : vector<256x160xf32>, vector<160x128xf32>, vector<256x128xf32> -> vector<256x128xf32>
    %get3A_390 = arith.constant 0 : index
    %get3A_391 = arith.constant 0 : index
    %get3A_392 = vector.load %arg5[%get3A_390, %get3A_391] : memref<1x128xf32, #tpu.memory_space<vmem>>, vector<1x128xf32>
    %add3A_393 = vector.broadcast %get3A_392 : vector<1x128xf32> to vector<256x128xf32>
    %add3A_394 = arith.addf %dot_general3A_389, %add3A_393 : vector<256x128xf32>
    %max3A_395 = arith.constant 0.000000e+00 : f32
    %max3A_396 = vector.broadcast %max3A_395 : f32 to vector<256x128xf32>
    %max3A_397 = arith.maximumf %add3A_394, %max3A_396 : vector<256x128xf32>
    %slice3A_398 = vector.extract_strided_slice %mul3A_50 {offsets = [0, 256], sizes = [256, 160], strides = [1, 1]} : vector<256x416xf32> to vector<256x160xf32>
    %get3A_399 = arith.constant 0 : index
    %get3A_400 = arith.constant 0 : index
    %get3A_401 = vector.load %arg4[%get3A_399, %get3A_400] : memref<160x128xf32, #tpu.memory_space<vmem>>, vector<160x128xf32>
    %dot_general3A_402 = arith.constant dense<0.000000e+00> : vector<256x128xf32>
    %dot_general3A_403 = tpu.matmul %slice3A_398, %get3A_401, %dot_general3A_402 {dimension_numbers = #tpu.dot_dimension_numbers<[1], [0], [0], [1], [0, 0, 1, 1], [], []>, transpose_lhs_hint = false} : vector<256x160xf32>, vector<160x128xf32>, vector<256x128xf32> -> vector<256x128xf32>
    %get3A_404 = arith.constant 0 : index
    %get3A_405 = arith.constant 0 : index
    %get3A_406 = vector.load %arg5[%get3A_404, %get3A_405] : memref<1x128xf32, #tpu.memory_space<vmem>>, vector<1x128xf32>
    %add3A_407 = vector.broadcast %get3A_406 : vector<1x128xf32> to vector<256x128xf32>
    %add3A_408 = arith.addf %dot_general3A_403, %add3A_407 : vector<256x128xf32>
    %max3A_409 = arith.constant 0.000000e+00 : f32
    %max3A_410 = vector.broadcast %max3A_409 : f32 to vector<256x128xf32>
    %max3A_411 = arith.maximumf %add3A_408, %max3A_410 : vector<256x128xf32>
    %get3A_412 = arith.constant 0 : index
    %get3A_413 = arith.constant 0 : index
    %get3A_414 = vector.load %arg6[%get3A_412, %get3A_413] : memref<128x128xf32, #tpu.memory_space<vmem>>, vector<128x128xf32>
    %dot_general3A_415 = arith.constant dense<0.000000e+00> : vector<256x128xf32>
    %dot_general3A_416 = tpu.matmul %max3A_61, %get3A_414, %dot_general3A_415 {dimension_numbers = #tpu.dot_dimension_numbers<[1], [0], [0], [1], [0, 0, 1, 1], [], []>, transpose_lhs_hint = false} : vector<256x128xf32>, vector<128x128xf32>, vector<256x128xf32> -> vector<256x128xf32>
    %get3A_417 = arith.constant 0 : index
    %get3A_418 = arith.constant 0 : index
    %get3A_419 = vector.load %arg6[%get3A_417, %get3A_418] : memref<128x128xf32, #tpu.memory_space<vmem>>, vector<128x128xf32>
    %dot_general3A_420 = arith.constant dense<0.000000e+00> : vector<256x128xf32>
    %dot_general3A_421 = tpu.matmul %max3A_75, %get3A_419, %dot_general3A_420 {dimension_numbers = #tpu.dot_dimension_numbers<[1], [0], [0], [1], [0, 0, 1, 1], [], []>, transpose_lhs_hint = false} : vector<256x128xf32>, vector<128x128xf32>, vector<256x128xf32> -> vector<256x128xf32>
    %get3A_422 = arith.constant 0 : index
    %get3A_423 = arith.constant 0 : index
    %get3A_424 = vector.load %arg6[%get3A_422, %get3A_423] : memref<128x128xf32, #tpu.memory_space<vmem>>, vector<128x128xf32>
    %dot_general3A_425 = arith.constant dense<0.000000e+00> : vector<256x128xf32>
    %dot_general3A_426 = tpu.matmul %max3A_89, %get3A_424, %dot_general3A_425 {dimension_numbers = #tpu.dot_dimension_numbers<[1], [0], [0], [1], [0, 0, 1, 1], [], []>, transpose_lhs_hint = false} : vector<256x128xf32>, vector<128x128xf32>, vector<256x128xf32> -> vector<256x128xf32>
    %get3A_427 = arith.constant 0 : index
    %get3A_428 = arith.constant 0 : index
    %get3A_429 = vector.load %arg6[%get3A_427, %get3A_428] : memref<128x128xf32, #tpu.memory_space<vmem>>, vector<128x128xf32>
    %dot_general3A_430 = arith.constant dense<0.000000e+00> : vector<256x128xf32>
    %dot_general3A_431 = tpu.matmul %max3A_103, %get3A_429, %dot_general3A_430 {dimension_numbers = #tpu.dot_dimension_numbers<[1], [0], [0], [1], [0, 0, 1, 1], [], []>, transpose_lhs_hint = false} : vector<256x128xf32>, vector<128x128xf32>, vector<256x128xf32> -> vector<256x128xf32>
    %get3A_432 = arith.constant 0 : index
    %get3A_433 = arith.constant 0 : index
    %get3A_434 = vector.load %arg6[%get3A_432, %get3A_433] : memref<128x128xf32, #tpu.memory_space<vmem>>, vector<128x128xf32>
    %dot_general3A_435 = arith.constant dense<0.000000e+00> : vector<256x128xf32>
    %dot_general3A_436 = tpu.matmul %max3A_117, %get3A_434, %dot_general3A_435 {dimension_numbers = #tpu.dot_dimension_numbers<[1], [0], [0], [1], [0, 0, 1, 1], [], []>, transpose_lhs_hint = false} : vector<256x128xf32>, vector<128x128xf32>, vector<256x128xf32> -> vector<256x128xf32>
    %get3A_437 = arith.constant 0 : index
    %get3A_438 = arith.constant 0 : index
    %get3A_439 = vector.load %arg6[%get3A_437, %get3A_438] : memref<128x128xf32, #tpu.memory_space<vmem>>, vector<128x128xf32>
    %dot_general3A_440 = arith.constant dense<0.000000e+00> : vector<256x128xf32>
    %dot_general3A_441 = tpu.matmul %max3A_131, %get3A_439, %dot_general3A_440 {dimension_numbers = #tpu.dot_dimension_numbers<[1], [0], [0], [1], [0, 0, 1, 1], [], []>, transpose_lhs_hint = false} : vector<256x128xf32>, vector<128x128xf32>, vector<256x128xf32> -> vector<256x128xf32>
    %get3A_442 = arith.constant 0 : index
    %get3A_443 = arith.constant 0 : index
    %get3A_444 = vector.load %arg6[%get3A_442, %get3A_443] : memref<128x128xf32, #tpu.memory_space<vmem>>, vector<128x128xf32>
    %dot_general3A_445 = arith.constant dense<0.000000e+00> : vector<256x128xf32>
    %dot_general3A_446 = tpu.matmul %max3A_145, %get3A_444, %dot_general3A_445 {dimension_numbers = #tpu.dot_dimension_numbers<[1], [0], [0], [1], [0, 0, 1, 1], [], []>, transpose_lhs_hint = false} : vector<256x128xf32>, vector<128x128xf32>, vector<256x128xf32> -> vector<256x128xf32>
    %get3A_447 = arith.constant 0 : index
    %get3A_448 = arith.constant 0 : index
    %get3A_449 = vector.load %arg6[%get3A_447, %get3A_448] : memref<128x128xf32, #tpu.memory_space<vmem>>, vector<128x128xf32>
    %dot_general3A_450 = arith.constant dense<0.000000e+00> : vector<256x128xf32>
    %dot_general3A_451 = tpu.matmul %max3A_159, %get3A_449, %dot_general3A_450 {dimension_numbers = #tpu.dot_dimension_numbers<[1], [0], [0], [1], [0, 0, 1, 1], [], []>, transpose_lhs_hint = false} : vector<256x128xf32>, vector<128x128xf32>, vector<256x128xf32> -> vector<256x128xf32>
    %get3A_452 = arith.constant 0 : index
    %get3A_453 = arith.constant 0 : index
    %get3A_454 = vector.load %arg6[%get3A_452, %get3A_453] : memref<128x128xf32, #tpu.memory_space<vmem>>, vector<128x128xf32>
    %dot_general3A_455 = arith.constant dense<0.000000e+00> : vector<256x128xf32>
    %dot_general3A_456 = tpu.matmul %max3A_173, %get3A_454, %dot_general3A_455 {dimension_numbers = #tpu.dot_dimension_numbers<[1], [0], [0], [1], [0, 0, 1, 1], [], []>, transpose_lhs_hint = false} : vector<256x128xf32>, vector<128x128xf32>, vector<256x128xf32> -> vector<256x128xf32>
    %get3A_457 = arith.constant 0 : index
    %get3A_458 = arith.constant 0 : index
    %get3A_459 = vector.load %arg6[%get3A_457, %get3A_458] : memref<128x128xf32, #tpu.memory_space<vmem>>, vector<128x128xf32>
    %dot_general3A_460 = arith.constant dense<0.000000e+00> : vector<256x128xf32>
    %dot_general3A_461 = tpu.matmul %max3A_187, %get3A_459, %dot_general3A_460 {dimension_numbers = #tpu.dot_dimension_numbers<[1], [0], [0], [1], [0, 0, 1, 1], [], []>, transpose_lhs_hint = false} : vector<256x128xf32>, vector<128x128xf32>, vector<256x128xf32> -> vector<256x128xf32>
    %get3A_462 = arith.constant 0 : index
    %get3A_463 = arith.constant 0 : index
    %get3A_464 = vector.load %arg6[%get3A_462, %get3A_463] : memref<128x128xf32, #tpu.memory_space<vmem>>, vector<128x128xf32>
    %dot_general3A_465 = arith.constant dense<0.000000e+00> : vector<256x128xf32>
    %dot_general3A_466 = tpu.matmul %max3A_201, %get3A_464, %dot_general3A_465 {dimension_numbers = #tpu.dot_dimension_numbers<[1], [0], [0], [1], [0, 0, 1, 1], [], []>, transpose_lhs_hint = false} : vector<256x128xf32>, vector<128x128xf32>, vector<256x128xf32> -> vector<256x128xf32>
    %get3A_467 = arith.constant 0 : index
    %get3A_468 = arith.constant 0 : index
    %get3A_469 = vector.load %arg6[%get3A_467, %get3A_468] : memref<128x128xf32, #tpu.memory_space<vmem>>, vector<128x128xf32>
    %dot_general3A_470 = arith.constant dense<0.000000e+00> : vector<256x128xf32>
    %dot_general3A_471 = tpu.matmul %max3A_215, %get3A_469, %dot_general3A_470 {dimension_numbers = #tpu.dot_dimension_numbers<[1], [0], [0], [1], [0, 0, 1, 1], [], []>, transpose_lhs_hint = false} : vector<256x128xf32>, vector<128x128xf32>, vector<256x128xf32> -> vector<256x128xf32>
    %get3A_472 = arith.constant 0 : index
    %get3A_473 = arith.constant 0 : index
    %get3A_474 = vector.load %arg6[%get3A_472, %get3A_473] : memref<128x128xf32, #tpu.memory_space<vmem>>, vector<128x128xf32>
    %dot_general3A_475 = arith.constant dense<0.000000e+00> : vector<256x128xf32>
    %dot_general3A_476 = tpu.matmul %max3A_229, %get3A_474, %dot_general3A_475 {dimension_numbers = #tpu.dot_dimension_numbers<[1], [0], [0], [1], [0, 0, 1, 1], [], []>, transpose_lhs_hint = false} : vector<256x128xf32>, vector<128x128xf32>, vector<256x128xf32> -> vector<256x128xf32>
    %get3A_477 = arith.constant 0 : index
    %get3A_478 = arith.constant 0 : index
    %get3A_479 = vector.load %arg6[%get3A_477, %get3A_478] : memref<128x128xf32, #tpu.memory_space<vmem>>, vector<128x128xf32>
    %dot_general3A_480 = arith.constant dense<0.000000e+00> : vector<256x128xf32>
    %dot_general3A_481 = tpu.matmul %max3A_243, %get3A_479, %dot_general3A_480 {dimension_numbers = #tpu.dot_dimension_numbers<[1], [0], [0], [1], [0, 0, 1, 1], [], []>, transpose_lhs_hint = false} : vector<256x128xf32>, vector<128x128xf32>, vector<256x128xf32> -> vector<256x128xf32>
    %get3A_482 = arith.constant 0 : index
    %get3A_483 = arith.constant 0 : index
    %get3A_484 = vector.load %arg6[%get3A_482, %get3A_483] : memref<128x128xf32, #tpu.memory_space<vmem>>, vector<128x128xf32>
    %dot_general3A_485 = arith.constant dense<0.000000e+00> : vector<256x128xf32>
    %dot_general3A_486 = tpu.matmul %max3A_257, %get3A_484, %dot_general3A_485 {dimension_numbers = #tpu.dot_dimension_numbers<[1], [0], [0], [1], [0, 0, 1, 1], [], []>, transpose_lhs_hint = false} : vector<256x128xf32>, vector<128x128xf32>, vector<256x128xf32> -> vector<256x128xf32>
    %get3A_487 = arith.constant 0 : index
    %get3A_488 = arith.constant 0 : index
    %get3A_489 = vector.load %arg6[%get3A_487, %get3A_488] : memref<128x128xf32, #tpu.memory_space<vmem>>, vector<128x128xf32>
    %dot_general3A_490 = arith.constant dense<0.000000e+00> : vector<256x128xf32>
    %dot_general3A_491 = tpu.matmul %max3A_271, %get3A_489, %dot_general3A_490 {dimension_numbers = #tpu.dot_dimension_numbers<[1], [0], [0], [1], [0, 0, 1, 1], [], []>, transpose_lhs_hint = false} : vector<256x128xf32>, vector<128x128xf32>, vector<256x128xf32> -> vector<256x128xf32>
    %get3A_492 = arith.constant 0 : index
    %get3A_493 = arith.constant 0 : index
    %get3A_494 = vector.load %arg6[%get3A_492, %get3A_493] : memref<128x128xf32, #tpu.memory_space<vmem>>, vector<128x128xf32>
    %dot_general3A_495 = arith.constant dense<0.000000e+00> : vector<256x128xf32>
    %dot_general3A_496 = tpu.matmul %max3A_285, %get3A_494, %dot_general3A_495 {dimension_numbers = #tpu.dot_dimension_numbers<[1], [0], [0], [1], [0, 0, 1, 1], [], []>, transpose_lhs_hint = false} : vector<256x128xf32>, vector<128x128xf32>, vector<256x128xf32> -> vector<256x128xf32>
    %get3A_497 = arith.constant 0 : index
    %get3A_498 = arith.constant 0 : index
    %get3A_499 = vector.load %arg6[%get3A_497, %get3A_498] : memref<128x128xf32, #tpu.memory_space<vmem>>, vector<128x128xf32>
    %dot_general3A_500 = arith.constant dense<0.000000e+00> : vector<256x128xf32>
    %dot_general3A_501 = tpu.matmul %max3A_299, %get3A_499, %dot_general3A_500 {dimension_numbers = #tpu.dot_dimension_numbers<[1], [0], [0], [1], [0, 0, 1, 1], [], []>, transpose_lhs_hint = false} : vector<256x128xf32>, vector<128x128xf32>, vector<256x128xf32> -> vector<256x128xf32>
    %get3A_502 = arith.constant 0 : index
    %get3A_503 = arith.constant 0 : index
    %get3A_504 = vector.load %arg6[%get3A_502, %get3A_503] : memref<128x128xf32, #tpu.memory_space<vmem>>, vector<128x128xf32>
    %dot_general3A_505 = arith.constant dense<0.000000e+00> : vector<256x128xf32>
    %dot_general3A_506 = tpu.matmul %max3A_313, %get3A_504, %dot_general3A_505 {dimension_numbers = #tpu.dot_dimension_numbers<[1], [0], [0], [1], [0, 0, 1, 1], [], []>, transpose_lhs_hint = false} : vector<256x128xf32>, vector<128x128xf32>, vector<256x128xf32> -> vector<256x128xf32>
    %get3A_507 = arith.constant 0 : index
    %get3A_508 = arith.constant 0 : index
    %get3A_509 = vector.load %arg6[%get3A_507, %get3A_508] : memref<128x128xf32, #tpu.memory_space<vmem>>, vector<128x128xf32>
    %dot_general3A_510 = arith.constant dense<0.000000e+00> : vector<256x128xf32>
    %dot_general3A_511 = tpu.matmul %max3A_327, %get3A_509, %dot_general3A_510 {dimension_numbers = #tpu.dot_dimension_numbers<[1], [0], [0], [1], [0, 0, 1, 1], [], []>, transpose_lhs_hint = false} : vector<256x128xf32>, vector<128x128xf32>, vector<256x128xf32> -> vector<256x128xf32>
    %get3A_512 = arith.constant 0 : index
    %get3A_513 = arith.constant 0 : index
    %get3A_514 = vector.load %arg6[%get3A_512, %get3A_513] : memref<128x128xf32, #tpu.memory_space<vmem>>, vector<128x128xf32>
    %dot_general3A_515 = arith.constant dense<0.000000e+00> : vector<256x128xf32>
    %dot_general3A_516 = tpu.matmul %max3A_341, %get3A_514, %dot_general3A_515 {dimension_numbers = #tpu.dot_dimension_numbers<[1], [0], [0], [1], [0, 0, 1, 1], [], []>, transpose_lhs_hint = false} : vector<256x128xf32>, vector<128x128xf32>, vector<256x128xf32> -> vector<256x128xf32>
    %get3A_517 = arith.constant 0 : index
    %get3A_518 = arith.constant 0 : index
    %get3A_519 = vector.load %arg6[%get3A_517, %get3A_518] : memref<128x128xf32, #tpu.memory_space<vmem>>, vector<128x128xf32>
    %dot_general3A_520 = arith.constant dense<0.000000e+00> : vector<256x128xf32>
    %dot_general3A_521 = tpu.matmul %max3A_355, %get3A_519, %dot_general3A_520 {dimension_numbers = #tpu.dot_dimension_numbers<[1], [0], [0], [1], [0, 0, 1, 1], [], []>, transpose_lhs_hint = false} : vector<256x128xf32>, vector<128x128xf32>, vector<256x128xf32> -> vector<256x128xf32>
    %get3A_522 = arith.constant 0 : index
    %get3A_523 = arith.constant 0 : index
    %get3A_524 = vector.load %arg6[%get3A_522, %get3A_523] : memref<128x128xf32, #tpu.memory_space<vmem>>, vector<128x128xf32>
    %dot_general3A_525 = arith.constant dense<0.000000e+00> : vector<256x128xf32>
    %dot_general3A_526 = tpu.matmul %max3A_369, %get3A_524, %dot_general3A_525 {dimension_numbers = #tpu.dot_dimension_numbers<[1], [0], [0], [1], [0, 0, 1, 1], [], []>, transpose_lhs_hint = false} : vector<256x128xf32>, vector<128x128xf32>, vector<256x128xf32> -> vector<256x128xf32>
    %get3A_527 = arith.constant 0 : index
    %get3A_528 = arith.constant 0 : index
    %get3A_529 = vector.load %arg6[%get3A_527, %get3A_528] : memref<128x128xf32, #tpu.memory_space<vmem>>, vector<128x128xf32>
    %dot_general3A_530 = arith.constant dense<0.000000e+00> : vector<256x128xf32>
    %dot_general3A_531 = tpu.matmul %max3A_383, %get3A_529, %dot_general3A_530 {dimension_numbers = #tpu.dot_dimension_numbers<[1], [0], [0], [1], [0, 0, 1, 1], [], []>, transpose_lhs_hint = false} : vector<256x128xf32>, vector<128x128xf32>, vector<256x128xf32> -> vector<256x128xf32>
    %get3A_532 = arith.constant 0 : index
    %get3A_533 = arith.constant 0 : index
    %get3A_534 = vector.load %arg6[%get3A_532, %get3A_533] : memref<128x128xf32, #tpu.memory_space<vmem>>, vector<128x128xf32>
    %dot_general3A_535 = arith.constant dense<0.000000e+00> : vector<256x128xf32>
    %dot_general3A_536 = tpu.matmul %max3A_397, %get3A_534, %dot_general3A_535 {dimension_numbers = #tpu.dot_dimension_numbers<[1], [0], [0], [1], [0, 0, 1, 1], [], []>, transpose_lhs_hint = false} : vector<256x128xf32>, vector<128x128xf32>, vector<256x128xf32> -> vector<256x128xf32>
    %get3A_537 = arith.constant 0 : index
    %get3A_538 = arith.constant 0 : index
    %get3A_539 = vector.load %arg6[%get3A_537, %get3A_538] : memref<128x128xf32, #tpu.memory_space<vmem>>, vector<128x128xf32>
    %dot_general3A_540 = arith.constant dense<0.000000e+00> : vector<256x128xf32>
    %dot_general3A_541 = tpu.matmul %max3A_411, %get3A_539, %dot_general3A_540 {dimension_numbers = #tpu.dot_dimension_numbers<[1], [0], [0], [1], [0, 0, 1, 1], [], []>, transpose_lhs_hint = false} : vector<256x128xf32>, vector<128x128xf32>, vector<256x128xf32> -> vector<256x128xf32>
    %concatenate3A_542 = tpu.concatenate %dot_general3A_416, %dot_general3A_481, %dot_general3A_421, %dot_general3A_486, %dot_general3A_426, %dot_general3A_491, %dot_general3A_431, %dot_general3A_496, %dot_general3A_436, %dot_general3A_501, %dot_general3A_441, %dot_general3A_506, %dot_general3A_446, %dot_general3A_511, %dot_general3A_451, %dot_general3A_516, %dot_general3A_456, %dot_general3A_521, %dot_general3A_461, %dot_general3A_526, %dot_general3A_466, %dot_general3A_531, %dot_general3A_471, %dot_general3A_536, %dot_general3A_476, %dot_general3A_541 in 1 : vector<256x128xf32>, vector<256x128xf32>, vector<256x128xf32>, vector<256x128xf32>, vector<256x128xf32>, vector<256x128xf32>, vector<256x128xf32>, vector<256x128xf32>, vector<256x128xf32>, vector<256x128xf32>, vector<256x128xf32>, vector<256x128xf32>, vector<256x128xf32>, vector<256x128xf32>, vector<256x128xf32>, vector<256x128xf32>, vector<256x128xf32>, vector<256x128xf32>, vector<256x128xf32>, vector<256x128xf32>, vector<256x128xf32>, vector<256x128xf32>, vector<256x128xf32>, vector<256x128xf32>, vector<256x128xf32>, vector<256x128xf32> -> vector<256x3328xf32>
    %get3A_543 = arith.constant 0 : index
    %get3A_544 = arith.constant 0 : index
    %get3A_545 = vector.load %arg9[%get3A_543, %get3A_544] : memref<1x3328xf32, #tpu.memory_space<vmem>>, vector<1x3328xf32>
    %add3A_546 = vector.broadcast %get3A_545 : vector<1x3328xf32> to vector<256x3328xf32>
    %add3A_547 = arith.addf %concatenate3A_542, %add3A_546 : vector<256x3328xf32>
    %reduce_max3A = arith.constant dense<0xFF800000> : vector<256xf32>
    %reduce_max3A_548 = vector.multi_reduction <maximumf>, %add3A_547, %reduce_max3A [1] : vector<256x3328xf32> to vector<256xf32>
    %broadcast_in_dim3A = vector.shape_cast %reduce_max3A_548 : vector<256xf32> to vector<256x1xf32>
    %sub3A = vector.broadcast %broadcast_in_dim3A : vector<256x1xf32> to vector<256x3328xf32>
    %sub3A_549 = arith.subf %add3A_547, %sub3A : vector<256x3328xf32>
    %exp3A = math.exp %sub3A_549 : vector<256x3328xf32>
    %reduce_sum3A = arith.constant dense<0.000000e+00> : vector<256xf32>
    %reduce_sum3A_550 = vector.multi_reduction <add>, %exp3A, %reduce_sum3A [1] : vector<256x3328xf32> to vector<256xf32>
    %broadcast_in_dim3A_551 = vector.shape_cast %reduce_sum3A_550 : vector<256xf32> to vector<256x1xf32>
    %div3A = vector.broadcast %broadcast_in_dim3A_551 : vector<256x1xf32> to vector<256x3328xf32>
    %div3A_552 = arith.divf %exp3A, %div3A : vector<256x3328xf32>
    %slice3A_553 = vector.extract_strided_slice %div3A_552 {offsets = [0, 0], sizes = [256, 256], strides = [1, 1]} : vector<256x3328xf32> to vector<256x256xf32>
    %get3A_554 = arith.constant 0 : index
    %get3A_555 = arith.constant 0 : index
    %get3A_556 = vector.load %arg7[%get3A_554, %get3A_555] : memref<256x416xf32, #tpu.memory_space<vmem>>, vector<256x416xf32>
    %dot_general3A_557 = arith.constant dense<0.000000e+00> : vector<256x416xf32>
    %dot_general3A_558 = tpu.matmul %slice3A_553, %get3A_556, %dot_general3A_557 {dimension_numbers = #tpu.dot_dimension_numbers<[1], [0], [0], [1], [0, 0, 1, 1], [], []>, transpose_lhs_hint = false} : vector<256x256xf32>, vector<256x416xf32>, vector<256x416xf32> -> vector<256x416xf32>
    %slice3A_559 = vector.extract_strided_slice %div3A_552 {offsets = [0, 256], sizes = [256, 256], strides = [1, 1]} : vector<256x3328xf32> to vector<256x256xf32>
    %get3A_560 = arith.constant 0 : index
    %get3A_561 = arith.constant 0 : index
    %get3A_562 = vector.load %arg7[%get3A_560, %get3A_561] : memref<256x416xf32, #tpu.memory_space<vmem>>, vector<256x416xf32>
    %dot_general3A_563 = arith.constant dense<0.000000e+00> : vector<256x416xf32>
    %dot_general3A_564 = tpu.matmul %slice3A_559, %get3A_562, %dot_general3A_563 {dimension_numbers = #tpu.dot_dimension_numbers<[1], [0], [0], [1], [0, 0, 1, 1], [], []>, transpose_lhs_hint = false} : vector<256x256xf32>, vector<256x416xf32>, vector<256x416xf32> -> vector<256x416xf32>
    %slice3A_565 = vector.extract_strided_slice %div3A_552 {offsets = [0, 512], sizes = [256, 256], strides = [1, 1]} : vector<256x3328xf32> to vector<256x256xf32>
    %get3A_566 = arith.constant 0 : index
    %get3A_567 = arith.constant 0 : index
    %get3A_568 = vector.load %arg7[%get3A_566, %get3A_567] : memref<256x416xf32, #tpu.memory_space<vmem>>, vector<256x416xf32>
    %dot_general3A_569 = arith.constant dense<0.000000e+00> : vector<256x416xf32>
    %dot_general3A_570 = tpu.matmul %slice3A_565, %get3A_568, %dot_general3A_569 {dimension_numbers = #tpu.dot_dimension_numbers<[1], [0], [0], [1], [0, 0, 1, 1], [], []>, transpose_lhs_hint = false} : vector<256x256xf32>, vector<256x416xf32>, vector<256x416xf32> -> vector<256x416xf32>
    %slice3A_571 = vector.extract_strided_slice %div3A_552 {offsets = [0, 768], sizes = [256, 256], strides = [1, 1]} : vector<256x3328xf32> to vector<256x256xf32>
    %get3A_572 = arith.constant 0 : index
    %get3A_573 = arith.constant 0 : index
    %get3A_574 = vector.load %arg7[%get3A_572, %get3A_573] : memref<256x416xf32, #tpu.memory_space<vmem>>, vector<256x416xf32>
    %dot_general3A_575 = arith.constant dense<0.000000e+00> : vector<256x416xf32>
    %dot_general3A_576 = tpu.matmul %slice3A_571, %get3A_574, %dot_general3A_575 {dimension_numbers = #tpu.dot_dimension_numbers<[1], [0], [0], [1], [0, 0, 1, 1], [], []>, transpose_lhs_hint = false} : vector<256x256xf32>, vector<256x416xf32>, vector<256x416xf32> -> vector<256x416xf32>
    %slice3A_577 = vector.extract_strided_slice %div3A_552 {offsets = [0, 1024], sizes = [256, 256], strides = [1, 1]} : vector<256x3328xf32> to vector<256x256xf32>
    %get3A_578 = arith.constant 0 : index
    %get3A_579 = arith.constant 0 : index
    %get3A_580 = vector.load %arg7[%get3A_578, %get3A_579] : memref<256x416xf32, #tpu.memory_space<vmem>>, vector<256x416xf32>
    %dot_general3A_581 = arith.constant dense<0.000000e+00> : vector<256x416xf32>
    %dot_general3A_582 = tpu.matmul %slice3A_577, %get3A_580, %dot_general3A_581 {dimension_numbers = #tpu.dot_dimension_numbers<[1], [0], [0], [1], [0, 0, 1, 1], [], []>, transpose_lhs_hint = false} : vector<256x256xf32>, vector<256x416xf32>, vector<256x416xf32> -> vector<256x416xf32>
    %slice3A_583 = vector.extract_strided_slice %div3A_552 {offsets = [0, 1280], sizes = [256, 256], strides = [1, 1]} : vector<256x3328xf32> to vector<256x256xf32>
    %get3A_584 = arith.constant 0 : index
    %get3A_585 = arith.constant 0 : index
    %get3A_586 = vector.load %arg7[%get3A_584, %get3A_585] : memref<256x416xf32, #tpu.memory_space<vmem>>, vector<256x416xf32>
    %dot_general3A_587 = arith.constant dense<0.000000e+00> : vector<256x416xf32>
    %dot_general3A_588 = tpu.matmul %slice3A_583, %get3A_586, %dot_general3A_587 {dimension_numbers = #tpu.dot_dimension_numbers<[1], [0], [0], [1], [0, 0, 1, 1], [], []>, transpose_lhs_hint = false} : vector<256x256xf32>, vector<256x416xf32>, vector<256x416xf32> -> vector<256x416xf32>
    %slice3A_589 = vector.extract_strided_slice %div3A_552 {offsets = [0, 1536], sizes = [256, 256], strides = [1, 1]} : vector<256x3328xf32> to vector<256x256xf32>
    %get3A_590 = arith.constant 0 : index
    %get3A_591 = arith.constant 0 : index
    %get3A_592 = vector.load %arg7[%get3A_590, %get3A_591] : memref<256x416xf32, #tpu.memory_space<vmem>>, vector<256x416xf32>
    %dot_general3A_593 = arith.constant dense<0.000000e+00> : vector<256x416xf32>
    %dot_general3A_594 = tpu.matmul %slice3A_589, %get3A_592, %dot_general3A_593 {dimension_numbers = #tpu.dot_dimension_numbers<[1], [0], [0], [1], [0, 0, 1, 1], [], []>, transpose_lhs_hint = false} : vector<256x256xf32>, vector<256x416xf32>, vector<256x416xf32> -> vector<256x416xf32>
    %slice3A_595 = vector.extract_strided_slice %div3A_552 {offsets = [0, 1792], sizes = [256, 256], strides = [1, 1]} : vector<256x3328xf32> to vector<256x256xf32>
    %get3A_596 = arith.constant 0 : index
    %get3A_597 = arith.constant 0 : index
    %get3A_598 = vector.load %arg7[%get3A_596, %get3A_597] : memref<256x416xf32, #tpu.memory_space<vmem>>, vector<256x416xf32>
    %dot_general3A_599 = arith.constant dense<0.000000e+00> : vector<256x416xf32>
    %dot_general3A_600 = tpu.matmul %slice3A_595, %get3A_598, %dot_general3A_599 {dimension_numbers = #tpu.dot_dimension_numbers<[1], [0], [0], [1], [0, 0, 1, 1], [], []>, transpose_lhs_hint = false} : vector<256x256xf32>, vector<256x416xf32>, vector<256x416xf32> -> vector<256x416xf32>
    %slice3A_601 = vector.extract_strided_slice %div3A_552 {offsets = [0, 2048], sizes = [256, 256], strides = [1, 1]} : vector<256x3328xf32> to vector<256x256xf32>
    %get3A_602 = arith.constant 0 : index
    %get3A_603 = arith.constant 0 : index
    %get3A_604 = vector.load %arg7[%get3A_602, %get3A_603] : memref<256x416xf32, #tpu.memory_space<vmem>>, vector<256x416xf32>
    %dot_general3A_605 = arith.constant dense<0.000000e+00> : vector<256x416xf32>
    %dot_general3A_606 = tpu.matmul %slice3A_601, %get3A_604, %dot_general3A_605 {dimension_numbers = #tpu.dot_dimension_numbers<[1], [0], [0], [1], [0, 0, 1, 1], [], []>, transpose_lhs_hint = false} : vector<256x256xf32>, vector<256x416xf32>, vector<256x416xf32> -> vector<256x416xf32>
    %slice3A_607 = vector.extract_strided_slice %div3A_552 {offsets = [0, 2304], sizes = [256, 256], strides = [1, 1]} : vector<256x3328xf32> to vector<256x256xf32>
    %get3A_608 = arith.constant 0 : index
    %get3A_609 = arith.constant 0 : index
    %get3A_610 = vector.load %arg7[%get3A_608, %get3A_609] : memref<256x416xf32, #tpu.memory_space<vmem>>, vector<256x416xf32>
    %dot_general3A_611 = arith.constant dense<0.000000e+00> : vector<256x416xf32>
    %dot_general3A_612 = tpu.matmul %slice3A_607, %get3A_610, %dot_general3A_611 {dimension_numbers = #tpu.dot_dimension_numbers<[1], [0], [0], [1], [0, 0, 1, 1], [], []>, transpose_lhs_hint = false} : vector<256x256xf32>, vector<256x416xf32>, vector<256x416xf32> -> vector<256x416xf32>
    %slice3A_613 = vector.extract_strided_slice %div3A_552 {offsets = [0, 2560], sizes = [256, 256], strides = [1, 1]} : vector<256x3328xf32> to vector<256x256xf32>
    %get3A_614 = arith.constant 0 : index
    %get3A_615 = arith.constant 0 : index
    %get3A_616 = vector.load %arg7[%get3A_614, %get3A_615] : memref<256x416xf32, #tpu.memory_space<vmem>>, vector<256x416xf32>
    %dot_general3A_617 = arith.constant dense<0.000000e+00> : vector<256x416xf32>
    %dot_general3A_618 = tpu.matmul %slice3A_613, %get3A_616, %dot_general3A_617 {dimension_numbers = #tpu.dot_dimension_numbers<[1], [0], [0], [1], [0, 0, 1, 1], [], []>, transpose_lhs_hint = false} : vector<256x256xf32>, vector<256x416xf32>, vector<256x416xf32> -> vector<256x416xf32>
    %slice3A_619 = vector.extract_strided_slice %div3A_552 {offsets = [0, 2816], sizes = [256, 256], strides = [1, 1]} : vector<256x3328xf32> to vector<256x256xf32>
    %get3A_620 = arith.constant 0 : index
    %get3A_621 = arith.constant 0 : index
    %get3A_622 = vector.load %arg7[%get3A_620, %get3A_621] : memref<256x416xf32, #tpu.memory_space<vmem>>, vector<256x416xf32>
    %dot_general3A_623 = arith.constant dense<0.000000e+00> : vector<256x416xf32>
    %dot_general3A_624 = tpu.matmul %slice3A_619, %get3A_622, %dot_general3A_623 {dimension_numbers = #tpu.dot_dimension_numbers<[1], [0], [0], [1], [0, 0, 1, 1], [], []>, transpose_lhs_hint = false} : vector<256x256xf32>, vector<256x416xf32>, vector<256x416xf32> -> vector<256x416xf32>
    %slice3A_625 = vector.extract_strided_slice %div3A_552 {offsets = [0, 3072], sizes = [256, 256], strides = [1, 1]} : vector<256x3328xf32> to vector<256x256xf32>
    %get3A_626 = arith.constant 0 : index
    %get3A_627 = arith.constant 0 : index
    %get3A_628 = vector.load %arg7[%get3A_626, %get3A_627] : memref<256x416xf32, #tpu.memory_space<vmem>>, vector<256x416xf32>
    %dot_general3A_629 = arith.constant dense<0.000000e+00> : vector<256x416xf32>
    %dot_general3A_630 = tpu.matmul %slice3A_625, %get3A_628, %dot_general3A_629 {dimension_numbers = #tpu.dot_dimension_numbers<[1], [0], [0], [1], [0, 0, 1, 1], [], []>, transpose_lhs_hint = false} : vector<256x256xf32>, vector<256x416xf32>, vector<256x416xf32> -> vector<256x416xf32>
    %mul3A_631 = arith.mulf %mul3A, %dot_general3A_558 : vector<256x416xf32>
    %mul3A_632 = arith.mulf %mul3A_6, %dot_general3A_564 : vector<256x416xf32>
    %mul3A_633 = arith.mulf %mul3A_10, %dot_general3A_570 : vector<256x416xf32>
    %mul3A_634 = arith.mulf %mul3A_14, %dot_general3A_576 : vector<256x416xf32>
    %mul3A_635 = arith.mulf %mul3A_18, %dot_general3A_582 : vector<256x416xf32>
    %mul3A_636 = arith.mulf %mul3A_22, %dot_general3A_588 : vector<256x416xf32>
    %mul3A_637 = arith.mulf %mul3A_26, %dot_general3A_594 : vector<256x416xf32>
    %mul3A_638 = arith.mulf %mul3A_30, %dot_general3A_600 : vector<256x416xf32>
    %mul3A_639 = arith.mulf %mul3A_34, %dot_general3A_606 : vector<256x416xf32>
    %mul3A_640 = arith.mulf %mul3A_38, %dot_general3A_612 : vector<256x416xf32>
    %mul3A_641 = arith.mulf %mul3A_42, %dot_general3A_618 : vector<256x416xf32>
    %mul3A_642 = arith.mulf %mul3A_46, %dot_general3A_624 : vector<256x416xf32>
    %mul3A_643 = arith.mulf %mul3A_50, %dot_general3A_630 : vector<256x416xf32>
    %broadcast_in_dim3A_644 = arith.constant 0.000000e+00 : f32
    %broadcast_in_dim3A_645 = vector.broadcast %broadcast_in_dim3A_644 : f32 to vector<256x16xf32>
    %get3A_646 = arith.constant 0 : index
    %get3A_647 = arith.constant 0 : index
    %get3A_648 = vector.load %arg8[%get3A_646, %get3A_647] : memref<416x16xf32, #tpu.memory_space<vmem>>, vector<416x16xf32>
    %dot_general3A_649 = arith.constant dense<0.000000e+00> : vector<256x16xf32>
    %dot_general3A_650 = tpu.matmul %mul3A_631, %get3A_648, %dot_general3A_649 {dimension_numbers = #tpu.dot_dimension_numbers<[1], [0], [0], [1], [0, 0, 1, 1], [], []>, transpose_lhs_hint = false} : vector<256x416xf32>, vector<416x16xf32>, vector<256x16xf32> -> vector<256x16xf32>
    %add3A_651 = arith.addf %broadcast_in_dim3A_645, %dot_general3A_650 : vector<256x16xf32>
    %get3A_652 = arith.constant 0 : index
    %get3A_653 = arith.constant 0 : index
    %get3A_654 = vector.load %arg8[%get3A_652, %get3A_653] : memref<416x16xf32, #tpu.memory_space<vmem>>, vector<416x16xf32>
    %dot_general3A_655 = arith.constant dense<0.000000e+00> : vector<256x16xf32>
    %dot_general3A_656 = tpu.matmul %mul3A_632, %get3A_654, %dot_general3A_655 {dimension_numbers = #tpu.dot_dimension_numbers<[1], [0], [0], [1], [0, 0, 1, 1], [], []>, transpose_lhs_hint = false} : vector<256x416xf32>, vector<416x16xf32>, vector<256x16xf32> -> vector<256x16xf32>
    %add3A_657 = arith.addf %add3A_651, %dot_general3A_656 : vector<256x16xf32>
    %get3A_658 = arith.constant 0 : index
    %get3A_659 = arith.constant 0 : index
    %get3A_660 = vector.load %arg8[%get3A_658, %get3A_659] : memref<416x16xf32, #tpu.memory_space<vmem>>, vector<416x16xf32>
    %dot_general3A_661 = arith.constant dense<0.000000e+00> : vector<256x16xf32>
    %dot_general3A_662 = tpu.matmul %mul3A_633, %get3A_660, %dot_general3A_661 {dimension_numbers = #tpu.dot_dimension_numbers<[1], [0], [0], [1], [0, 0, 1, 1], [], []>, transpose_lhs_hint = false} : vector<256x416xf32>, vector<416x16xf32>, vector<256x16xf32> -> vector<256x16xf32>
    %add3A_663 = arith.addf %add3A_657, %dot_general3A_662 : vector<256x16xf32>
    %get3A_664 = arith.constant 0 : index
    %get3A_665 = arith.constant 0 : index
    %get3A_666 = vector.load %arg8[%get3A_664, %get3A_665] : memref<416x16xf32, #tpu.memory_space<vmem>>, vector<416x16xf32>
    %dot_general3A_667 = arith.constant dense<0.000000e+00> : vector<256x16xf32>
    %dot_general3A_668 = tpu.matmul %mul3A_634, %get3A_666, %dot_general3A_667 {dimension_numbers = #tpu.dot_dimension_numbers<[1], [0], [0], [1], [0, 0, 1, 1], [], []>, transpose_lhs_hint = false} : vector<256x416xf32>, vector<416x16xf32>, vector<256x16xf32> -> vector<256x16xf32>
    %add3A_669 = arith.addf %add3A_663, %dot_general3A_668 : vector<256x16xf32>
    %get3A_670 = arith.constant 0 : index
    %get3A_671 = arith.constant 0 : index
    %get3A_672 = vector.load %arg8[%get3A_670, %get3A_671] : memref<416x16xf32, #tpu.memory_space<vmem>>, vector<416x16xf32>
    %dot_general3A_673 = arith.constant dense<0.000000e+00> : vector<256x16xf32>
    %dot_general3A_674 = tpu.matmul %mul3A_635, %get3A_672, %dot_general3A_673 {dimension_numbers = #tpu.dot_dimension_numbers<[1], [0], [0], [1], [0, 0, 1, 1], [], []>, transpose_lhs_hint = false} : vector<256x416xf32>, vector<416x16xf32>, vector<256x16xf32> -> vector<256x16xf32>
    %add3A_675 = arith.addf %add3A_669, %dot_general3A_674 : vector<256x16xf32>
    %get3A_676 = arith.constant 0 : index
    %get3A_677 = arith.constant 0 : index
    %get3A_678 = vector.load %arg8[%get3A_676, %get3A_677] : memref<416x16xf32, #tpu.memory_space<vmem>>, vector<416x16xf32>
    %dot_general3A_679 = arith.constant dense<0.000000e+00> : vector<256x16xf32>
    %dot_general3A_680 = tpu.matmul %mul3A_636, %get3A_678, %dot_general3A_679 {dimension_numbers = #tpu.dot_dimension_numbers<[1], [0], [0], [1], [0, 0, 1, 1], [], []>, transpose_lhs_hint = false} : vector<256x416xf32>, vector<416x16xf32>, vector<256x16xf32> -> vector<256x16xf32>
    %add3A_681 = arith.addf %add3A_675, %dot_general3A_680 : vector<256x16xf32>
    %get3A_682 = arith.constant 0 : index
    %get3A_683 = arith.constant 0 : index
    %get3A_684 = vector.load %arg8[%get3A_682, %get3A_683] : memref<416x16xf32, #tpu.memory_space<vmem>>, vector<416x16xf32>
    %dot_general3A_685 = arith.constant dense<0.000000e+00> : vector<256x16xf32>
    %dot_general3A_686 = tpu.matmul %mul3A_637, %get3A_684, %dot_general3A_685 {dimension_numbers = #tpu.dot_dimension_numbers<[1], [0], [0], [1], [0, 0, 1, 1], [], []>, transpose_lhs_hint = false} : vector<256x416xf32>, vector<416x16xf32>, vector<256x16xf32> -> vector<256x16xf32>
    %add3A_687 = arith.addf %add3A_681, %dot_general3A_686 : vector<256x16xf32>
    %get3A_688 = arith.constant 0 : index
    %get3A_689 = arith.constant 0 : index
    %get3A_690 = vector.load %arg8[%get3A_688, %get3A_689] : memref<416x16xf32, #tpu.memory_space<vmem>>, vector<416x16xf32>
    %dot_general3A_691 = arith.constant dense<0.000000e+00> : vector<256x16xf32>
    %dot_general3A_692 = tpu.matmul %mul3A_638, %get3A_690, %dot_general3A_691 {dimension_numbers = #tpu.dot_dimension_numbers<[1], [0], [0], [1], [0, 0, 1, 1], [], []>, transpose_lhs_hint = false} : vector<256x416xf32>, vector<416x16xf32>, vector<256x16xf32> -> vector<256x16xf32>
    %add3A_693 = arith.addf %add3A_687, %dot_general3A_692 : vector<256x16xf32>
    %get3A_694 = arith.constant 0 : index
    %get3A_695 = arith.constant 0 : index
    %get3A_696 = vector.load %arg8[%get3A_694, %get3A_695] : memref<416x16xf32, #tpu.memory_space<vmem>>, vector<416x16xf32>
    %dot_general3A_697 = arith.constant dense<0.000000e+00> : vector<256x16xf32>
    %dot_general3A_698 = tpu.matmul %mul3A_639, %get3A_696, %dot_general3A_697 {dimension_numbers = #tpu.dot_dimension_numbers<[1], [0], [0], [1], [0, 0, 1, 1], [], []>, transpose_lhs_hint = false} : vector<256x416xf32>, vector<416x16xf32>, vector<256x16xf32> -> vector<256x16xf32>
    %add3A_699 = arith.addf %add3A_693, %dot_general3A_698 : vector<256x16xf32>
    %get3A_700 = arith.constant 0 : index
    %get3A_701 = arith.constant 0 : index
    %get3A_702 = vector.load %arg8[%get3A_700, %get3A_701] : memref<416x16xf32, #tpu.memory_space<vmem>>, vector<416x16xf32>
    %dot_general3A_703 = arith.constant dense<0.000000e+00> : vector<256x16xf32>
    %dot_general3A_704 = tpu.matmul %mul3A_640, %get3A_702, %dot_general3A_703 {dimension_numbers = #tpu.dot_dimension_numbers<[1], [0], [0], [1], [0, 0, 1, 1], [], []>, transpose_lhs_hint = false} : vector<256x416xf32>, vector<416x16xf32>, vector<256x16xf32> -> vector<256x16xf32>
    %add3A_705 = arith.addf %add3A_699, %dot_general3A_704 : vector<256x16xf32>
    %get3A_706 = arith.constant 0 : index
    %get3A_707 = arith.constant 0 : index
    %get3A_708 = vector.load %arg8[%get3A_706, %get3A_707] : memref<416x16xf32, #tpu.memory_space<vmem>>, vector<416x16xf32>
    %dot_general3A_709 = arith.constant dense<0.000000e+00> : vector<256x16xf32>
    %dot_general3A_710 = tpu.matmul %mul3A_641, %get3A_708, %dot_general3A_709 {dimension_numbers = #tpu.dot_dimension_numbers<[1], [0], [0], [1], [0, 0, 1, 1], [], []>, transpose_lhs_hint = false} : vector<256x416xf32>, vector<416x16xf32>, vector<256x16xf32> -> vector<256x16xf32>
    %add3A_711 = arith.addf %add3A_705, %dot_general3A_710 : vector<256x16xf32>
    %get3A_712 = arith.constant 0 : index
    %get3A_713 = arith.constant 0 : index
    %get3A_714 = vector.load %arg8[%get3A_712, %get3A_713] : memref<416x16xf32, #tpu.memory_space<vmem>>, vector<416x16xf32>
    %dot_general3A_715 = arith.constant dense<0.000000e+00> : vector<256x16xf32>
    %dot_general3A_716 = tpu.matmul %mul3A_642, %get3A_714, %dot_general3A_715 {dimension_numbers = #tpu.dot_dimension_numbers<[1], [0], [0], [1], [0, 0, 1, 1], [], []>, transpose_lhs_hint = false} : vector<256x416xf32>, vector<416x16xf32>, vector<256x16xf32> -> vector<256x16xf32>
    %add3A_717 = arith.addf %add3A_711, %dot_general3A_716 : vector<256x16xf32>
    %get3A_718 = arith.constant 0 : index
    %get3A_719 = arith.constant 0 : index
    %get3A_720 = vector.load %arg8[%get3A_718, %get3A_719] : memref<416x16xf32, #tpu.memory_space<vmem>>, vector<416x16xf32>
    %dot_general3A_721 = arith.constant dense<0.000000e+00> : vector<256x16xf32>
    %dot_general3A_722 = tpu.matmul %mul3A_643, %get3A_720, %dot_general3A_721 {dimension_numbers = #tpu.dot_dimension_numbers<[1], [0], [0], [1], [0, 0, 1, 1], [], []>, transpose_lhs_hint = false} : vector<256x416xf32>, vector<416x16xf32>, vector<256x16xf32> -> vector<256x16xf32>
    %add3A_723 = arith.addf %add3A_717, %dot_general3A_722 : vector<256x16xf32>
    %get3A_724 = arith.constant 0 : index
    %get3A_725 = arith.constant 0 : index
    %get3A_726 = vector.load %arg10[%get3A_724, %get3A_725] : memref<1x16xf32, #tpu.memory_space<vmem>>, vector<1x16xf32>
    %mul3A_727 = vector.broadcast %get3A_726 : vector<1x16xf32> to vector<256x16xf32>
    %mul3A_728 = arith.mulf %add3A_723, %mul3A_727 : vector<256x16xf32>
    %reduce_sum3A_729 = arith.constant dense<0.000000e+00> : vector<256xf32>
    %reduce_sum3A_730 = vector.multi_reduction <add>, %mul3A_728, %reduce_sum3A_729 [1] : vector<256x16xf32> to vector<256xf32>
    %get3A_731 = arith.constant 0 : index
    %get3A_732 = arith.constant 0 : index
    %get3A_733 = vector.load %arg1[%get3A_731, %get3A_732] : memref<256x26xf32, #tpu.memory_space<vmem>>, vector<256x26xf32>
    %get3A_734 = arith.constant 0 : index
    %get3A_735 = arith.constant 0 : index
    %get3A_736 = vector.load %arg11[%get3A_734, %get3A_735] : memref<1x26xf32, #tpu.memory_space<vmem>>, vector<1x26xf32>
    %mul3A_737 = vector.broadcast %get3A_736 : vector<1x26xf32> to vector<256x26xf32>
    %mul3A_738 = arith.mulf %get3A_733, %mul3A_737 : vector<256x26xf32>
    %reduce_sum3A_739 = arith.constant dense<0.000000e+00> : vector<256xf32>
    %reduce_sum3A_740 = vector.multi_reduction <add>, %mul3A_738, %reduce_sum3A_739 [1] : vector<256x26xf32> to vector<256xf32>
    %get3A_741 = arith.constant 0 : index
    %get3A_742 = arith.constant 0 : index
    %get3A_743 = vector.load %arg12[%get3A_741, %get3A_742] : memref<1x1xf32, #tpu.memory_space<vmem>>, vector<1x1xf32>
    %get3A_744 = vector.extract %get3A_743[0, 0] : f32 from vector<1x1xf32>
    %add3A_745 = vector.broadcast %get3A_744 : f32 to vector<256xf32>
    %add3A_746 = arith.addf %reduce_sum3A_740, %add3A_745 : vector<256xf32>
    %max3A_747 = arith.constant 0.000000e+00 : f32
    %max3A_748 = vector.broadcast %max3A_747 : f32 to vector<256xf32>
    %max3A_749 = arith.maximumf %add3A_746, %max3A_748 : vector<256xf32>
    %add3A_750 = arith.addf %max3A_749, %reduce_sum3A_730 : vector<256xf32>
    %logistic3A = arith.negf %add3A_750 : vector<256xf32>
    %logistic3A_751 = math.exp %logistic3A : vector<256xf32>
    %logistic3A_752 = arith.constant 1.000000e+00 : f32
    %logistic3A_753 = vector.broadcast %logistic3A_752 : f32 to vector<256xf32>
    %logistic3A_754 = arith.addf %logistic3A_753, %logistic3A_751 : vector<256xf32>
    %logistic3A_755 = arith.divf %logistic3A_753, %logistic3A_754 : vector<256xf32>
    %reshape3A = vector.shape_cast %logistic3A_755 : vector<256xf32> to vector<256x1xf32>
    %swap3A = arith.constant 0 : index
    %swap3A_756 = arith.constant 0 : index
    %swap3A_757 = vector.load %arg13[%swap3A, %swap3A_756] : memref<256x1xf32, #tpu.memory_space<vmem>>, vector<256x1xf32>
    tpu.vector_store %arg13[%swap3A, %swap3A_756], %reshape3A {strides = array<i32>} : memref<256x1xf32, #tpu.memory_space<vmem>>, vector<256x1xf32>,
    return
  }
  func.func @transform_0(%arg0: i32) -> (i32, i32) {
    %c0_i32 = arith.constant 0 : i32
    %c0_i32_0 = arith.constant 0 : i32
    return %arg0, %c0_i32 : i32, i32
  }
  func.func @transform_1(%arg0: i32) -> (i32, i32) {
    %c0_i32 = arith.constant 0 : i32
    %c0_i32_0 = arith.constant 0 : i32
    return %arg0, %c0_i32 : i32, i32
  }
  func.func @transform_2(%arg0: i32) -> (i32, i32) {
    %c0_i32 = arith.constant 0 : i32
    %c0_i32_0 = arith.constant 0 : i32
    %c0_i32_1 = arith.constant 0 : i32
    return %c0_i32, %c0_i32_0 : i32, i32
  }
  func.func @transform_3(%arg0: i32) -> (i32, i32) {
    %c0_i32 = arith.constant 0 : i32
    %c0_i32_0 = arith.constant 0 : i32
    %c0_i32_1 = arith.constant 0 : i32
    return %c0_i32, %c0_i32_0 : i32, i32
  }
  func.func @transform_4(%arg0: i32) -> (i32, i32) {
    %c0_i32 = arith.constant 0 : i32
    %c0_i32_0 = arith.constant 0 : i32
    %c0_i32_1 = arith.constant 0 : i32
    return %c0_i32, %c0_i32_0 : i32, i32
  }
  func.func @transform_5(%arg0: i32) -> (i32, i32) {
    %c0_i32 = arith.constant 0 : i32
    %c0_i32_0 = arith.constant 0 : i32
    %c0_i32_1 = arith.constant 0 : i32
    return %c0_i32, %c0_i32_0 : i32, i32
  }
  func.func @transform_6(%arg0: i32) -> (i32, i32) {
    %c0_i32 = arith.constant 0 : i32
    %c0_i32_0 = arith.constant 0 : i32
    %c0_i32_1 = arith.constant 0 : i32
    return %c0_i32, %c0_i32_0 : i32, i32
  }
  func.func @transform_7(%arg0: i32) -> (i32, i32) {
    %c0_i32 = arith.constant 0 : i32
    %c0_i32_0 = arith.constant 0 : i32
    %c0_i32_1 = arith.constant 0 : i32
    return %c0_i32, %c0_i32_0 : i32, i32
  }
  func.func @transform_8(%arg0: i32) -> (i32, i32) {
    %c0_i32 = arith.constant 0 : i32
    %c0_i32_0 = arith.constant 0 : i32
    %c0_i32_1 = arith.constant 0 : i32
    return %c0_i32, %c0_i32_0 : i32, i32
  }
  func.func @transform_9(%arg0: i32) -> (i32, i32) {
    %c0_i32 = arith.constant 0 : i32
    %c0_i32_0 = arith.constant 0 : i32
    %c0_i32_1 = arith.constant 0 : i32
    return %c0_i32, %c0_i32_0 : i32, i32
  }
  func.func @transform_10(%arg0: i32) -> (i32, i32) {
    %c0_i32 = arith.constant 0 : i32
    %c0_i32_0 = arith.constant 0 : i32
    %c0_i32_1 = arith.constant 0 : i32
    return %c0_i32, %c0_i32_0 : i32, i32
  }
  func.func @transform_11(%arg0: i32) -> (i32, i32) {
    %c0_i32 = arith.constant 0 : i32
    %c0_i32_0 = arith.constant 0 : i32
    %c0_i32_1 = arith.constant 0 : i32
    return %c0_i32, %c0_i32_0 : i32, i32
  }
  func.func @transform_12(%arg0: i32) -> (i32, i32) {
    %c0_i32 = arith.constant 0 : i32
    %c0_i32_0 = arith.constant 0 : i32
    return %arg0, %c0_i32 : i32, i32
  }
}

</mosaic_0001>

<sc_bundles>
// kernel: kernel.6.cloned.1.call-start
scs
__scs_entry_jumppad:
0x0: {  	(pc) =	sbr.rel $0x88, $3  }
0x1: {  	(tag) =	ssettag $0x0;
	lr =	simm.s32 $0x1  }
0x2: {  	[smem:$0x3F99] =	sst lr;
	_ =	strace $0xD0000000  }
0x3: {  	_ = 	snop  }
0x4: {  	_ = 	snop  }
0x5: {  	_ = 	snop  }
0x6: {  	_ = 	snop  }
0x7: {  	_ = 	snop  }
__scs_overlays_trampoline_lowered:
0x8: {  	[smem:$0x3FA8] =	sst s0  }
0x9: {  	[smem:$0x3FA9] =	sst s1  }
0xa: {  	[smem:$0x3FAA] =	sst s2  }
0xb: {  	[smem:$0x3FAB] =	sst s3  }
0xc: {  	[smem:$0x3FAC] =	sst s4  }
0xd: {  	[smem:$0x3FAD] =	sst s5  }
0xe: {  	[smem:$0x3FAE] =	sst s6  }
0xf: {  	[smem:$0x3FAF] =	sst s7  }
0x10: {  	[smem:$0x3FB0] =	sst s8  }
0x11: {  	[smem:$0x3FB1] =	sst s9;
	s0 =	simm.s32 @!p0 $0x0  }
0x12: {  	s1 =	sld [smem:$0x3F97];
	s0 =	simm.s32 @p0 $0x1  }
0x13: {  	[smem:$0x3FB2] =	sst s0;
	s0 =	simm.s32 @!p1 $0x0  }
0x14: {  	s2 =	sld [smem:$0x3F96];
	s0 =	simm.s32 @p1 $0x1  }
0x15: {  	[smem:$0x3FB3] =	sst s0;
	s0 =	simm.s32 @!p2 $0x0  }
0x16: {  	s3 =	sld [smem:$0x3FDB];
	s0 =	simm.s32 @p2 $0x1  }
0x17: {  	s4 =	simm.s32 $0x1BF5;
	[smem:$0x3FB5] =	sst s0  }
0x18: {  	s0 =	sld [smem:$0x3F98];
	_ =	swait.ge [sflag:s4], $0x0  }
0x19: {  	s7 =	sld [smem:$0x3F99]  }
0x1a: {  	s8 =	sadd.s32 $0xFFFFE003, lr  }
0x1b: {  	s9 =	sadd.s32 $0xFFFFFEF7, lr;
	s5 =	simm.s32 $0xFFFFFFFF;
	p2 =	slt.u32 s8, $0xFFFFF086  }
0x1c: {  	p1 =	slt.u32 s9, $0xF7A;
	s5 =	simm.s32 @!p2 $0x0  }
0x1d: {  	s5 =	simm.s32 @p1 $0x1;
	p0 =	seq.s32 s7, s2  }
0x1e: {  	s7 =	smul.u32 @!p0 $0xF7A, s2;
	p2 =	seq.s32 @!p0 s5, $0x0  }
0x1f: {  	s9 =	smul.u32 $0xF7A, s1;
	s8 =	simm.s32 @!p0 $0x1BF5;
	p2 =	por !p2, p0  }
0x20: {  	[sflag:s8] =	ssyncset.s32 @!p0 $0xFFFFF086;
	s6 =	sadd.s32 @!p0 s3, s7;
	s7 =	simm.s32 @!p0 $0x108  }
0x21: {  	s3 =	sadd.s32 s3, s9;
	s6 =	sadd.s32 @!p0 $0x88, s6;
	s7 =	simm.s32 @p2 $0x1082  }
0x22: {  	[simem:s7], [sflag:s8] =	dma.local @!p0 [hbm:s6], $0xF7A  }
0x23: {  	s9 =	sor.u32 $0xD0000000, s2;
	s6 =	simm.s32 $0x108;
	_ =	swait.ge @!p0 [sflag:s8], $0x0  }
0x24: {  	s3 =	sadd.s32 $0x88, s3;
	s6 =	simm.s32 @!p1 $0x1082;
	[sflag:s4] =	ssyncset.s32 $0xFFFFF086  }
0x25: {  	[simem:s6], [sflag:s4] =	dma.local [hbm:s3], $0xF7A  }
0x26: {  	[smem:$0x3F99] =	sst s1;
	(tag) =	ssettag s2;
	_ =	strace s9  }
0x27: {  	s1 =	sld [smem:$0x3FA9]  }
0x28: {  	s2 =	sld [smem:$0x3FAA]  }
0x29: {  	s4 =	sld [smem:$0x3FAC]  }
0x2a: {  	p0 =	seq.s32 s5, $0x0;
	s5 =	sld [smem:$0x3FAD]  }
0x2b: {  	s6 =	sld [smem:$0x3FAE]  }
0x2c: {  	s7 =	sld [smem:$0x3FAF]  }
0x2d: {  	s3 =	simm.s32 $0x108;
	s8 =	sld [smem:$0x3FB0]  }
0x2e: {  	s3 =	simm.s32 @!p0 $0x1082;
	s9 =	sld [smem:$0x3FB1]  }
0x2f: {  	lr =	sadd.s32 s0, s3;
	s0 =	sld [smem:$0x3FA8]  }
0x30: {  	s3 =	sld [smem:$0x3FAB]  }
0x31: {  	[smem:$0x3FB4] =	sst s10  }
0x32: {  	s10 =	sld [smem:$0x3FB2];
	_ =	sdelay $0x3  }
0x33: {  	p0 =	seq.s32 s10, $0x1;
	s10 =	sld [smem:$0x3FB4];
	_ =	sdelay $0x3  }
0x34: {  	[smem:$0x3FB4] =	sst s10  }
0x35: {  	s10 =	sld [smem:$0x3FB3];
	_ =	sdelay $0x3  }
0x36: {  	p1 =	seq.s32 s10, $0x1;
	s10 =	sld [smem:$0x3FB4];
	_ =	sdelay $0x3  }
0x37: {  	[smem:$0x3FB4] =	sst s10  }
0x38: {  	s10 =	sld [smem:$0x3FB5]  }
0x39: {  	_ = 	snop;
	(pc) =	sbr.ind lr, $3  }
0x3a: {  	_ = 	snop  }
0x3b: {  	_ = 	snop  }
0x3c: {  	p2 =	seq.s32 s10, $0x1;
	s10 =	sld [smem:$0x3FB4]  }
0x3d: {  	_ =	shalt  }
0x3e: {  	_ =	shalt  }
0x3f: {  	_ =	shalt  }
0x40: {  	_ =	shalt  }
0x41: {  	_ =	shalt  }
0x42: {  	_ =	shalt  }
0x43: {  	_ =	shalt  }
0x44: {  	_ =	shalt  }
0x45: {  	_ =	shalt  }
0x46: {  	_ =	shalt  }
0x47: {  	_ =	shalt  }
0x48: {  	_ =	shalt  }
0x49: {  	_ =	shalt  }
0x4a: {  	_ =	shalt  }
0x4b: {  	_ =	shalt  }
0x4c: {  	_ =	shalt  }
0x4d: {  	_ =	shalt  }
0x4e: {  	_ =	shalt  }
0x4f: {  	_ =	shalt  }
0x50: {  	_ =	shalt  }
0x51: {  	_ =	shalt  }
0x52: {  	_ =	shalt  }
0x53: {  	_ =	shalt  }
0x54: {  	_ =	shalt  }
0x55: {  	_ =	shalt  }
0x56: {  	_ =	shalt  }
0x57: {  	_ =	shalt  }
0x58: {  	_ =	shalt  }
0x59: {  	_ =	shalt  }
0x5a: {  	_ =	shalt  }
0x5b: {  	_ =	shalt  }
0x5c: {  	_ =	shalt  }
0x5d: {  	_ =	shalt  }
0x5e: {  	_ =	shalt  }
0x5f: {  	_ =	shalt  }
0x60: {  	_ =	shalt  }
0x61: {  	_ =	shalt  }
0x62: {  	_ =	shalt  }
0x63: {  	_ =	shalt  }
0x64: {  	_ =	shalt  }
0x65: {  	_ =	shalt  }
0x66: {  	_ =	shalt  }
0x67: {  	_ =	shalt  }
0x68: {  	_ =	shalt  }
0x69: {  	_ =	shalt  }
0x6a: {  	_ =	shalt  }
0x6b: {  	_ =	shalt  }
0x6c: {  	_ =	shalt  }
0x6d: {  	_ =	shalt  }
0x6e: {  	_ =	shalt  }
0x6f: {  	_ =	shalt  }
0x70: {  	_ =	shalt  }
0x71: {  	_ =	shalt  }
0x72: {  	_ =	shalt  }
0x73: {  	_ =	shalt  }
0x74: {  	_ =	shalt  }
0x75: {  	_ =	shalt  }
0x76: {  	_ =	shalt  }
0x77: {  	_ =	shalt  }
0x78: {  	_ =	shalt  }
0x79: {  	_ =	shalt  }
0x7a: {  	_ =	shalt  }
0x7b: {  	_ =	shalt  }
0x7c: {  	_ =	shalt  }
0x7d: {  	_ =	shalt  }
0x7e: {  	_ =	shalt  }
0x7f: {  	_ =	shalt  }
0x80: {  	_ =	shalt  }
0x81: {  	_ =	shalt  }
0x82: {  	_ =	shalt  }
0x83: {  	_ =	shalt  }
0x84: {  	_ =	shalt  }
0x85: {  	_ =	shalt  }
0x86: {  	_ =	shalt  }
0x87: {  	_ =	shalt  }
.Lfunc_end0:
.L_simem_size_0:
called_computation_lowered:
.L_overlay_start_0:
0x88: {  	s2 =	sld [smem:$0x3FD9]  }
0x89: {  	s3 =	sld [smem:$0x3FFE];
	_ =	sdelay $0x1  }
0x8a: {  	s1 =	srdreg.scid  }
0x8b: {  	s0 =	sand.u32 $0x1, s1  }
0x8c: {  	s17 =	sshll.u32 s0, $0xA;
	s2 =	sadd.s32 s3, s2  }
0x8d: {  	s2 =	sadd.s32 s2, s17  }
0x8e: {  	[smem:$0x3FC0] =	sst s2  }
0x8f: {  	_ = 	snop  }
0x90: {  	s2 =	sld [smem:$0x3FC8];
	(tm) =	ssettm $0x1  }
0x91: {  	s18 =	sld [smem:$0x3FFB];
	_ =	sdelay $0x3  }
0x92: {  	_ =	strace s18  }
0x93: {  	s3 =	sld [smem:$0x3FFC];
	_ =	sdelay $0x3  }
0x94: {  	_ =	strace s3  }
0x95: {  	s3 =	sld [smem:$0x3FFD];
	_ =	sdelay $0x3  }
0x96: {  	_ =	strace s3  }
0x97: {  	_ =	strace $0x8FFFFFFF  }
0x98: {  	s19 =	sld [smem:$0x3FDB];
	_ =	sdelay $0x1  }
0x99: {  	s4 =	simm.s32 $_scs_section_size  }
0x9a: {  	s5 =	simm.s32 $_size__tile_overlayer_lowered;
	s6 =	simm.s32 $_tile_overlayer_lowered  }
0x9b: {  	s22 =	simm.s32 $0x1BFF;
	s21 =	sshll.u32 s6, $0x1;
	s3 =	sadd.s32 s4, s19  }
0x9c: {  	s7 =	simm.s32 $0x0;
	s20 =	sshll.u32 s5, $0x1;
	s5 =	sadd.s32 s21, s3  }
0x9d: {  	[timem:s7], [sflag:s22] =	dma.local [hbm:s5], s20  }
0x9e: {  	_ =	swait.ge [sflag:s22], s20  }
0x9f: {  	s4 =	ssub.s32 $0x0, s20;
	[sflag:s22] =	ssyncset.done $0x0  }
0xa0: {  	[sflag:s22] =	ssyncadd.s32 s4;
	_ =	sdelay $0x1  }
0xa1: {  	s23 =	simm.s32 $0x1B8B  }
0xa2: {  	_ =	swait.ge [sflag:s23], $0x1  }
0xa3: {  	[sflag:s23] =	ssyncset.done $0x0  }
0xa4: {  	s25 =	simm.s32 $0x1B8E;
	s24 =	sld [smem:$0x3FFE];
	[sflag:s23] =	ssyncadd.s32 $0xFFFFFFFF  }
0xa5: {  	s26 =	simm.s32 $execute0_lowered;
	[smem:$0x3FD2] =	sst s25  }
0xa6: {  	s5 =	sshll.u32 s26, $0x1;
	_ =	strace $0x80000046;
	[dreg:$0x1] =	wrdreg $0xFFFFFFFF  }
0xa7: {  	s28 =	simm.s32 $_size_execute0_lowered;
	s3 =	sadd.s32 s3, s5;
	[dreg:$0x0] =	wrdreg $0x0  }
0xa8: {  	s5 =	sshll.u32 s28, $0x1;
	[dreg:$0x2] =	wrdreg s3  }
0xa9: {  	[dreg:$0x3] =	wrdreg s5  }
0xaa: {  	[dreg:$0x4] =	wrdreg $0xC0  }
0xab: {  	_ =	task [dreg:s7], $0x5FFFF  }
0xac: {  	[dreg:$0x1] =	wrdreg $0xFFFFFFFF  }
0xad: {  	[dreg:$0x0] =	wrdreg $0x60  }
0xae: {  	[dreg:$0x2] =	wrdreg s2  }
0xaf: {  	[dreg:$0x3] =	wrdreg s24  }
0xb0: {  	[dreg:$0x4] =	wrdreg $0x9  }
0xb1: {  	_ =	task.clear_ibuf [dreg:s7], $0x5FFFF;
	_ =	strace $0x90000046  }
0xb2: {  	s29 =	simm.s32 $0x9;
	_ =	strace $0x80000048  }
0xb3: {  	_ =	swait.ge [sflag:s29], $0x1  }
0xb4: {  	[sflag:s29] =	ssyncadd.s32 $0xFFFFFFFF  }
0xb5: {  	_ =	strace $0x90000048  }
0xb6: {  	_ =	sfence  }
0xb7: {  	s30 =	sld [smem:$0x0];
	_ =	sdelay $0x2  }
0xb8: {  	s31 =	sshll.u32 s1, $0xD;
	s1 =	sshrl.u32 s1, $0x2  }
0xb9: {  	s3 =	sand.u32 $0x4000, s31;
	s1 =	sadd.s32 s1, s30  }
0xba: {  	s0 =	sor.u32 s3, s0;
	s1 =	sshll.u32 s1, $0x11  }
0xbb: {  	s0 =	sor.u32 s1, s0  }
0xbc: {  	s0 =	sadd.s32 $0x8F2B, s0  }
0xbd: {  	[sflag:s0] =	ssyncadd.remote.s32 $0x1  }
0xbe: {  	_ =	sfence.sel $0xFFFF  }
0xbf: {  	[dreg:$0x0] =	wrdreg $0xFFFFFFFF;
	(pc) =	sbr.abs _section_cstart, $3  }
0xc0: {  	[dreg:$0x1] =	wrdreg $0xFFFFFFFF  }
0xc1: {  	_ =	task.clear_ibuf [dreg:s7], $0x2FFFF;
	_ =	strace $0x9FFFFFFF  }
0xc2: {  	(tm) =	ssettm $0x7FFFFFFF  }
0xc3: {  	_ =	shalt  }
tec
execute0_lowered:
.L_overlay_start_1:
0x0: {  	(tag) =	ssettag $0x1  }
0x1: {  	s1 =	rddreg [dreg:$0x0]  }
0x2: {  	s5 =	rddreg [dreg:$0x1];
	s2 =	srdreg.scid  }
0x3: {  	s0 =	rddreg [dreg:$0x2];
	s3 =	simm.s32 $0x0;
	s10 =	simm.s32 $0x1  }
0x4: {  	s11 =	simm.s32 $0x18700;
	s12 =	simm.s32 $0x1A700;
	s13 =	simm.s32 $0x0  }
0x5: {  	s6 =	sand.u32 $0x1, s2;
	[smem:$0x7FF] =	sst s3;
	s2 =	stileid.u32  }
0x6: {  	s4 =	sadd.s32 $0x1A00, s5;
	s5 =	sadd.s32 $0x11A00, s5;
	s7 =	ssub.s32 $0x2, s6  }
0x7: {  	_ =	strace $0x80000047;
	s9 =	sshll.u32 s2, $0x1;
	s8 =	sshrl.u32 s7, $0x1  }
0x8: {  	s6 =	sor.u32 s6, s9;
	s9 =	simm.s32 $0x400;
	s7 =	ssub.s32 s7, s8  }
0x9: {  	s6 =	smul.u32 $0xD, s6;
	s8 =	simm.s32 $0x80;
	s7 =	smax.u32 s7, $0x1  }
.LBB2_1:
0xa: {  	s14 =	simm.s32 $0x0  }
.LBB2_2:
0xb: {  	s15 =	sadd.s32 s6, s14  }
0xc: {  	s16 =	sshrl.u32 s15, $0x4;
	s17 =	sshll.u32 s15, $0x1C  }
0xd: {  	s16 =	smul.u32 $0x187000, s16;
	s17 =	sshra.s32 s17, $0x1F  }
0xe: {  	s18 =	sshll.u32 s15, $0x7;
	s17 =	sand.u32 $0xC3800, s17  }
0xf: {  	s28 =	sand.u32 $0x380, s18;
	s16 =	sadd.s32 s16, s17  }
0x10: {  	s16 =	sor.u32 s28, s16  }
0x11: {  	s16 =	sshrl.u32 s16, $0x3  }
0x12: {  	s29 =	simm.s32 $0x0;
	s16 =	sadd.s32 s1, s16  }
0x13: {  	[tilespmem:s29], [sflag:$0x1] =	stream.strided.gather [hbm4b:s16+s8], $0x18700, s9, s8, $0x38;
	[tilespmem:$0x1C700] =	vst v63  }
0x14: {  	s30 =	sshll.u32 s15, $0x6;
	s31 =	sand.u32 $0x70, s15;
	_ =	swait.ge [sflag:s10], $0x18700  }
0x15: {  	s17 =	sadd.s32 s4, s31;
	s16 =	sand.u32 $0xFFFE000, s30;
	[sflag:s10] =	ssyncset.done $0x0  }
0x16: {  	s16 =	sadd.s32 s16, s17;
	[sflag:s10] =	ssyncadd.s32 $0xFFFE7900  }
0x17: {  	[tilespmem:s11], [sflag:$0x1] =	stream.strided.gather [hbm4b:s16+s8], $0x2000, s9, s8, $0x38;
	[tilespmem:$0x1C700] =	vst v63  }
0x18: {  	_ =	swait.ge [sflag:s10], $0x2000  }
0x19: {  	[sflag:s10] =	ssyncset.done $0x0  }
0x1a: {  	s17 =	simm.s32 $0x0;
	[sflag:s10] =	ssyncadd.s32 $0xFFFFE000  }
0x1b: {  	v0 =	vld [tilespmem:s17+$0x18700];
	_ =	sdelay $0x7  }
0x1c: {  	s18 =	simm.s32 $0x80;
	s16 =	simm.s32 $0x10;
	v0 =	vld.idx.msk [tilespmem:v0+s3+$0x0], $0xffff  }
.LBB2_3:
0x1d: {  	p0 =	sne.s32 s18, $0x7FC0;
	v1 =	vld [tilespmem:s16+$0x18700];
	_ =	sdelay $0x3  }
.Ltmp0:
0x1e: {  	(pc) =	sbr.rel @p0 .LBB2_3-.Ltmp0, $2  }
0x1f: {  	[tilespmem:s17+$0x1A700] =	vst v0;
	s17 =	smov.u32 s16;
	_ =	sdelay $0x2  }
0x20: {  	s16 =	sshra.s32 s18, $0x2;
	s18 =	sadd.s32 $0x40, s18;
	v0 =	vld.idx.msk [tilespmem:v1+s3+$0x0], $0xffff  }
0x21: {  	v1 =	vld [tilespmem:s16+$0x18700];
	_ =	sdelay $0x6  }
0x22: {  	[tilespmem:s17+$0x1A700] =	vst v0  }
0x23: {  	v0 =	vld.idx.msk [tilespmem:v1+s3+$0x0], $0xffff;
	_ =	sdelay $0x1  }
0x24: {  	s30 =	sshll.u32 s15, $0x4  }
0x25: {  	s31 =	sshll.u32 s15, $0xA;
	s14 =	sadd.s32 $0x1, s14;
	s17 =	sand.u32 $0x70, s30  }
0x26: {  	s15 =	sand.u32 $0xFFFE000, s31;
	p0 =	sne.s32 s14, $0xD;
	s17 =	sadd.s32 s5, s17  }
.Ltmp1:
0x27: {  	s15 =	sadd.s32 s15, s17;
	[tilespmem:s16+$0x1A700] =	vst v0;
	(pc) =	sbr.rel @p0 .LBB2_2-.Ltmp1, $4  }
0x28: {  	[hbm4b:s15+s8] =	stream.strided.scatter [tilespmem:s12], [sflag:$0x1], $0x2000, s9, s8, $0x38;
	[tilespmem:$0x1C700] =	vst v63  }
0x29: {  	_ =	swait.ge [sflag:s10], $0x2000  }
0x2a: {  	[sflag:s10] =	ssyncset.done $0x0  }
0x2b: {  	[sflag:s10] =	ssyncadd.s32 $0xFFFFE000  }
0x2c: {  	s13 =	sadd.s32 $0x1, s13  }
0x2d: {  	p0 =	sne.s32 s13, s7  }
.Ltmp2:
0x2e: {  	_ = 	snop;
	(pc) =	sbr.rel @p0 .LBB2_1-.Ltmp2, $1  }
0x2f: {  	_ =	sdelay $0x3  }
0x30: {  	_ =	sfence.sel $0x180000  }
0x31: {  	[bflag:$0x0] =	sbarrier.arrive $0xFFFF  }
0x32: {  	p0 =	sne.s32 s2, $0x0;
	_ =	strace $0x90000047  }
0x33: {  	s0 =	sadd.s32 @!p0 $0x100000, s0;
	[bflag:$0x2] =	sbarrier.arrive $0xFFFF  }
0x34: {  	[sflag:s0] =	ssyncadd.tile.s32 @!p0 $0x1;
	_ =	shalt  }
.Lfunc_end2:
_tile_overlayer_lowered:
.L_overlay_start_2:
0x35: {  	(tag) =	ssettag $0x2  }
0x36: {  	s0 =	rddreg [dreg:$0x0];
	s2 =	stileid.u32  }
0x37: {  	s1 =	rddreg [dreg:$0x1];
	p0 =	sne.s32 s2, $0x0  }
0x38: {  	s3 =	rddreg [dreg:$0x2];
	[bflag:$0x3] =	sbarrier.arrive $0xFFFF;
	s2 =	simm.s32 @!p0 $0x1C01  }
0x39: {  	[timem:s3], [sflag:s2] =	dma.local @!p0 [hbm:s0], s1  }
0x3a: {  	s0 =	simm.s32 @!p0 $0x1  }
0x3b: {  	_ =	swait.ge @!p0 [sflag:s0], s1  }
0x3c: {  	s1 =	ssub.s32 @!p0 $0x0, s1;
	[sflag:s0] =	ssyncset.done @!p0 $0x0  }
0x3d: {  	[sflag:s0] =	ssyncadd.s32 @!p0 s1  }
0x3e: {  	[bflag:$0x3] =	sbarrier.arrive $0xFFFF  }
0x3f: {  	_ =	shalt  }

// kernel: kernel.9.cloned.1.call-start
scs
__scs_entry_jumppad:
0x0: {  	(pc) =	sbr.rel $0x88, $3  }
0x1: {  	(tag) =	ssettag $0x0;
	lr =	simm.s32 $0x1  }
0x2: {  	[smem:$0x3F99] =	sst lr;
	_ =	strace $0xD0000000  }
0x3: {  	_ = 	snop  }
0x4: {  	_ = 	snop  }
0x5: {  	_ = 	snop  }
0x6: {  	_ = 	snop  }
0x7: {  	_ = 	snop  }
__scs_overlays_trampoline_lowered:
0x8: {  	[smem:$0x3FA8] =	sst s0  }
0x9: {  	[smem:$0x3FA9] =	sst s1  }
0xa: {  	[smem:$0x3FAA] =	sst s2  }
0xb: {  	[smem:$0x3FAB] =	sst s3  }
0xc: {  	[smem:$0x3FAC] =	sst s4  }
0xd: {  	[smem:$0x3FAD] =	sst s5  }
0xe: {  	[smem:$0x3FAE] =	sst s6  }
0xf: {  	[smem:$0x3FAF] =	sst s7  }
0x10: {  	[smem:$0x3FB0] =	sst s8  }
0x11: {  	[smem:$0x3FB1] =	sst s9;
	s0 =	simm.s32 @!p0 $0x0  }
0x12: {  	s1 =	sld [smem:$0x3F97];
	s0 =	simm.s32 @p0 $0x1  }
0x13: {  	[smem:$0x3FB2] =	sst s0;
	s0 =	simm.s32 @!p1 $0x0  }
0x14: {  	s2 =	sld [smem:$0x3F96];
	s0 =	simm.s32 @p1 $0x1  }
0x15: {  	[smem:$0x3FB3] =	sst s0;
	s0 =	simm.s32 @!p2 $0x0  }
0x16: {  	s3 =	sld [smem:$0x3FDB];
	s0 =	simm.s32 @p2 $0x1  }
0x17: {  	s4 =	simm.s32 $0x1BF5;
	[smem:$0x3FB5] =	sst s0  }
0x18: {  	s0 =	sld [smem:$0x3F98];
	_ =	swait.ge [sflag:s4], $0x0  }
0x19: {  	s7 =	sld [smem:$0x3F99]  }
0x1a: {  	s8 =	sadd.s32 $0xFFFFE003, lr  }
0x1b: {  	s9 =	sadd.s32 $0xFFFFFEF7, lr;
	s5 =	simm.s32 $0xFFFFFFFF;
	p2 =	slt.u32 s8, $0xFFFFF086  }
0x1c: {  	p1 =	slt.u32 s9, $0xF7A;
	s5 =	simm.s32 @!p2 $0x0  }
0x1d: {  	s5 =	simm.s32 @p1 $0x1;
	p0 =	seq.s32 s7, s2  }
0x1e: {  	s7 =	smul.u32 @!p0 $0xF7A, s2;
	p2 =	seq.s32 @!p0 s5, $0x0  }
0x1f: {  	s9 =	smul.u32 $0xF7A, s1;
	s8 =	simm.s32 @!p0 $0x1BF5;
	p2 =	por !p2, p0  }
0x20: {  	[sflag:s8] =	ssyncset.s32 @!p0 $0xFFFFF086;
	s6 =	sadd.s32 @!p0 s3, s7;
	s7 =	simm.s32 @!p0 $0x108  }
0x21: {  	s3 =	sadd.s32 s3, s9;
	s6 =	sadd.s32 @!p0 $0x88, s6;
	s7 =	simm.s32 @p2 $0x1082  }
0x22: {  	[simem:s7], [sflag:s8] =	dma.local @!p0 [hbm:s6], $0xF7A  }
0x23: {  	s9 =	sor.u32 $0xD0000000, s2;
	s6 =	simm.s32 $0x108;
	_ =	swait.ge @!p0 [sflag:s8], $0x0  }
0x24: {  	s3 =	sadd.s32 $0x88, s3;
	s6 =	simm.s32 @!p1 $0x1082;
	[sflag:s4] =	ssyncset.s32 $0xFFFFF086  }
0x25: {  	[simem:s6], [sflag:s4] =	dma.local [hbm:s3], $0xF7A  }
0x26: {  	[smem:$0x3F99] =	sst s1;
	(tag) =	ssettag s2;
	_ =	strace s9  }
0x27: {  	s1 =	sld [smem:$0x3FA9]  }
0x28: {  	s2 =	sld [smem:$0x3FAA]  }
0x29: {  	s4 =	sld [smem:$0x3FAC]  }
0x2a: {  	p0 =	seq.s32 s5, $0x0;
	s5 =	sld [smem:$0x3FAD]  }
0x2b: {  	s6 =	sld [smem:$0x3FAE]  }
0x2c: {  	s7 =	sld [smem:$0x3FAF]  }
0x2d: {  	s3 =	simm.s32 $0x108;
	s8 =	sld [smem:$0x3FB0]  }
0x2e: {  	s3 =	simm.s32 @!p0 $0x1082;
	s9 =	sld [smem:$0x3FB1]  }
0x2f: {  	lr =	sadd.s32 s0, s3;
	s0 =	sld [smem:$0x3FA8]  }
0x30: {  	s3 =	sld [smem:$0x3FAB]  }
0x31: {  	[smem:$0x3FB4] =	sst s10  }
0x32: {  	s10 =	sld [smem:$0x3FB2];
	_ =	sdelay $0x3  }
0x33: {  	p0 =	seq.s32 s10, $0x1;
	s10 =	sld [smem:$0x3FB4];
	_ =	sdelay $0x3  }
0x34: {  	[smem:$0x3FB4] =	sst s10  }
0x35: {  	s10 =	sld [smem:$0x3FB3];
	_ =	sdelay $0x3  }
0x36: {  	p1 =	seq.s32 s10, $0x1;
	s10 =	sld [smem:$0x3FB4];
	_ =	sdelay $0x3  }
0x37: {  	[smem:$0x3FB4] =	sst s10  }
0x38: {  	s10 =	sld [smem:$0x3FB5]  }
0x39: {  	_ = 	snop;
	(pc) =	sbr.ind lr, $3  }
0x3a: {  	_ = 	snop  }
0x3b: {  	_ = 	snop  }
0x3c: {  	p2 =	seq.s32 s10, $0x1;
	s10 =	sld [smem:$0x3FB4]  }
0x3d: {  	_ =	shalt  }
0x3e: {  	_ =	shalt  }
0x3f: {  	_ =	shalt  }
0x40: {  	_ =	shalt  }
0x41: {  	_ =	shalt  }
0x42: {  	_ =	shalt  }
0x43: {  	_ =	shalt  }
0x44: {  	_ =	shalt  }
0x45: {  	_ =	shalt  }
0x46: {  	_ =	shalt  }
0x47: {  	_ =	shalt  }
0x48: {  	_ =	shalt  }
0x49: {  	_ =	shalt  }
0x4a: {  	_ =	shalt  }
0x4b: {  	_ =	shalt  }
0x4c: {  	_ =	shalt  }
0x4d: {  	_ =	shalt  }
0x4e: {  	_ =	shalt  }
0x4f: {  	_ =	shalt  }
0x50: {  	_ =	shalt  }
0x51: {  	_ =	shalt  }
0x52: {  	_ =	shalt  }
0x53: {  	_ =	shalt  }
0x54: {  	_ =	shalt  }
0x55: {  	_ =	shalt  }
0x56: {  	_ =	shalt  }
0x57: {  	_ =	shalt  }
0x58: {  	_ =	shalt  }
0x59: {  	_ =	shalt  }
0x5a: {  	_ =	shalt  }
0x5b: {  	_ =	shalt  }
0x5c: {  	_ =	shalt  }
0x5d: {  	_ =	shalt  }
0x5e: {  	_ =	shalt  }
0x5f: {  	_ =	shalt  }
0x60: {  	_ =	shalt  }
0x61: {  	_ =	shalt  }
0x62: {  	_ =	shalt  }
0x63: {  	_ =	shalt  }
0x64: {  	_ =	shalt  }
0x65: {  	_ =	shalt  }
0x66: {  	_ =	shalt  }
0x67: {  	_ =	shalt  }
0x68: {  	_ =	shalt  }
0x69: {  	_ =	shalt  }
0x6a: {  	_ =	shalt  }
0x6b: {  	_ =	shalt  }
0x6c: {  	_ =	shalt  }
0x6d: {  	_ =	shalt  }
0x6e: {  	_ =	shalt  }
0x6f: {  	_ =	shalt  }
0x70: {  	_ =	shalt  }
0x71: {  	_ =	shalt  }
0x72: {  	_ =	shalt  }
0x73: {  	_ =	shalt  }
0x74: {  	_ =	shalt  }
0x75: {  	_ =	shalt  }
0x76: {  	_ =	shalt  }
0x77: {  	_ =	shalt  }
0x78: {  	_ =	shalt  }
0x79: {  	_ =	shalt  }
0x7a: {  	_ =	shalt  }
0x7b: {  	_ =	shalt  }
0x7c: {  	_ =	shalt  }
0x7d: {  	_ =	shalt  }
0x7e: {  	_ =	shalt  }
0x7f: {  	_ =	shalt  }
0x80: {  	_ =	shalt  }
0x81: {  	_ =	shalt  }
0x82: {  	_ =	shalt  }
0x83: {  	_ =	shalt  }
0x84: {  	_ =	shalt  }
0x85: {  	_ =	shalt  }
0x86: {  	_ =	shalt  }
0x87: {  	_ =	shalt  }
.Lfunc_end0:
.L_simem_size_0:
called_computation.1_lowered:
.L_overlay_start_0:
0x88: {  	s2 =	sld [smem:$0x3FD9]  }
0x89: {  	s3 =	sld [smem:$0x3FFE];
	_ =	sdelay $0x1  }
0x8a: {  	s1 =	srdreg.scid  }
0x8b: {  	s0 =	sand.u32 $0x1, s1  }
0x8c: {  	s17 =	sshll.u32 s0, $0xA;
	s2 =	sadd.s32 s3, s2  }
0x8d: {  	s2 =	sadd.s32 s2, s17  }
0x8e: {  	[smem:$0x3FC0] =	sst s2  }
0x8f: {  	_ = 	snop  }
0x90: {  	s18 =	sld [smem:$0x3FC8];
	(tm) =	ssettm $0x1  }
0x91: {  	s19 =	sld [smem:$0x3FFB];
	_ =	sdelay $0x3  }
0x92: {  	_ =	strace s19  }
0x93: {  	s2 =	sld [smem:$0x3FFC];
	_ =	sdelay $0x3  }
0x94: {  	_ =	strace s2  }
0x95: {  	s2 =	sld [smem:$0x3FFD];
	_ =	sdelay $0x3  }
0x96: {  	_ =	strace s2  }
0x97: {  	_ =	strace $0x8FFFFFFF  }
0x98: {  	s20 =	sld [smem:$0x3FDB];
	_ =	sdelay $0x1  }
0x99: {  	s4 =	simm.s32 $_scs_section_size  }
0x9a: {  	s5 =	simm.s32 $_size__tile_overlayer_lowered;
	s6 =	simm.s32 $_tile_overlayer_lowered  }
0x9b: {  	s7 =	simm.s32 $0x1BFF;
	s21 =	sshll.u32 s6, $0x1;
	s4 =	sadd.s32 s4, s20  }
0x9c: {  	s22 =	simm.s32 $0x0;
	s5 =	sshll.u32 s5, $0x1;
	s6 =	sadd.s32 s21, s4  }
0x9d: {  	[timem:s22], [sflag:s7] =	dma.local [hbm:s6], s5  }
0x9e: {  	_ =	swait.ge [sflag:s7], s5  }
0x9f: {  	s5 =	ssub.s32 $0x0, s5;
	[sflag:s7] =	ssyncset.done $0x0  }
0xa0: {  	[sflag:s7] =	ssyncadd.s32 s5;
	_ =	sdelay $0x1  }
0xa1: {  	s23 =	simm.s32 $0x1B8B  }
0xa2: {  	_ =	swait.ge [sflag:s23], $0x1  }
0xa3: {  	[sflag:s23] =	ssyncset.done $0x0  }
0xa4: {  	[sflag:s23] =	ssyncadd.s32 $0xFFFFFFFF  }
0xa5: {  	s5 =	sld [smem:$0x0]  }
0xa6: {  	s6 =	sand.u32 $0xFFFFFFFE, s1  }
0xa7: {  	p0 =	sne.s32 s1, s6  }
0xa8: {  	s6 =	sshll.u32 @p0 s6, $0xE  }
0xa9: {  	s6 =	sadd.s32 @p0 $0x11B8D, s6;
	s7 =	sshll.u32 @p0 s5, $0x11  }
0xaa: {  	s6 =	sor.u32 @p0 s7, s6  }
0xab: {  	[sflag:s6] =	ssyncadd.remote.s32 @p0 $0x1;
	_ =	sdelay $0x1  }
0xac: {  	s6 =	simm.s32 @p0 $0x1B8D  }
0xad: {  	_ =	swait.eq @p0 [sflag:s6], $0x1  }
0xae: {  	[sflag:s6] =	ssyncadd.s32 @p0 $0xFFFFFFFF  }
0xaf: {  	s7 =	sshll.u32 @!p0 s1, $0xE  }
0xb0: {  	s7 =	sor.u32 @!p0 $0x4000, s7;
	s6 =	simm.s32 @!p0 $0x1B8D  }
0xb1: {  	s5 =	sshll.u32 @!p0 s5, $0x11;
	s7 =	sadd.s32 @!p0 $0x11B8D, s7;
	_ =	swait.eq @!p0 [sflag:s6], $0x1  }
0xb2: {  	s5 =	sor.u32 @!p0 s5, s7;
	[sflag:s6] =	ssyncadd.s32 @!p0 $0xFFFFFFFF  }
0xb3: {  	s25 =	simm.s32 $0x1B8E;
	s24 =	sld [smem:$0x3FFE];
	[sflag:s5] =	ssyncadd.remote.s32 @!p0 $0x1  }
0xb4: {  	s26 =	simm.s32 $execute0_lowered;
	[smem:$0x3FD2] =	sst s25  }
0xb5: {  	s6 =	sshll.u32 s26, $0x1;
	_ =	strace $0x80000049;
	[dreg:$0x1] =	wrdreg $0xFFFFFFFF  }
0xb6: {  	s28 =	simm.s32 $_size_execute0_lowered;
	s4 =	sadd.s32 s4, s6;
	[dreg:$0x0] =	wrdreg $0x0  }
0xb7: {  	s6 =	sshll.u32 s28, $0x1;
	[dreg:$0x2] =	wrdreg s4  }
0xb8: {  	[dreg:$0x3] =	wrdreg s6  }
0xb9: {  	[dreg:$0x4] =	wrdreg $0xC0  }
0xba: {  	_ =	task [dreg:s22], $0x5FFFF  }
0xbb: {  	[dreg:$0x1] =	wrdreg $0xFFFFFFFF  }
0xbc: {  	[dreg:$0x0] =	wrdreg $0x60  }
0xbd: {  	[dreg:$0x2] =	wrdreg s18  }
0xbe: {  	[dreg:$0x3] =	wrdreg s24  }
0xbf: {  	[dreg:$0x4] =	wrdreg $0xA  }
0xc0: {  	_ =	task.clear_ibuf [dreg:s22], $0x5FFFF;
	_ =	strace $0x90000049  }
0xc1: {  	s29 =	simm.s32 $0xA;
	_ =	strace $0x8000004B  }
0xc2: {  	_ =	swait.ge [sflag:s29], $0x1  }
0xc3: {  	[sflag:s29] =	ssyncadd.s32 $0xFFFFFFFF  }
0xc4: {  	_ =	strace $0x9000004B  }
0xc5: {  	_ =	sfence  }
0xc6: {  	s30 =	sld [smem:$0x0];
	_ =	sdelay $0x2  }
0xc7: {  	s31 =	sshll.u32 s1, $0xD;
	s1 =	sshrl.u32 s1, $0x2  }
0xc8: {  	s4 =	sand.u32 $0x4000, s31;
	s1 =	sadd.s32 s1, s30  }
0xc9: {  	s0 =	sor.u32 s4, s0;
	s1 =	sshll.u32 s1, $0x11  }
0xca: {  	s0 =	sor.u32 s1, s0  }
0xcb: {  	s0 =	sadd.s32 $0x8F2B, s0  }
0xcc: {  	[sflag:s0] =	ssyncadd.remote.s32 $0x1  }
0xcd: {  	_ =	sfence.sel $0xFFFF  }
0xce: {  	[dreg:$0x0] =	wrdreg $0xFFFFFFFF;
	(pc) =	sbr.abs _section_cstart, $3  }
0xcf: {  	[dreg:$0x1] =	wrdreg $0xFFFFFFFF  }
0xd0: {  	_ =	task.clear_ibuf [dreg:s22], $0x2FFFF;
	_ =	strace $0x9FFFFFFF  }
0xd1: {  	(tm) =	ssettm $0x7FFFFFFF  }
tec
execute0_lowered:
.L_overlay_start_1:
0x0: {  	(tag) =	ssettag $0x1  }
0x1: {  	s1 =	rddreg [dreg:$0x0]  }
0x2: {  	s5 =	rddreg [dreg:$0x1];
	s2 =	srdreg.scid  }
0x3: {  	s0 =	rddreg [dreg:$0x2];
	s3 =	simm.s32 $0x0;
	s10 =	simm.s32 $0x1  }
0x4: {  	s11 =	simm.s32 $0x18700;
	s12 =	simm.s32 $0x1A700;
	s13 =	simm.s32 $0x0  }
0x5: {  	s6 =	sand.u32 $0x1, s2;
	[smem:$0x7FF] =	sst s3;
	s2 =	stileid.u32  }
0x6: {  	s4 =	sadd.s32 $0x9A00, s5;
	s5 =	sadd.s32 $0x79A00, s5;
	s7 =	ssub.s32 $0x2, s6  }
0x7: {  	_ =	strace $0x8000004A;
	s9 =	sshll.u32 s2, $0x1;
	s8 =	sshrl.u32 s7, $0x1  }
0x8: {  	s6 =	sor.u32 s6, s9;
	s9 =	simm.s32 $0x400;
	s7 =	ssub.s32 s7, s8  }
0x9: {  	s6 =	smul.u32 $0xD, s6;
	s8 =	simm.s32 $0x80;
	s7 =	smax.u32 s7, $0x1  }
.LBB2_1:
0xa: {  	s14 =	simm.s32 $0x0  }
.LBB2_2:
0xb: {  	s15 =	sadd.s32 s6, s14  }
0xc: {  	s16 =	sshrl.u32 s15, $0x4;
	s17 =	sshll.u32 s15, $0x1C  }
0xd: {  	s16 =	smul.u32 $0x187000, s16;
	s17 =	sshra.s32 s17, $0x1F  }
0xe: {  	s18 =	sshll.u32 s15, $0x7;
	s17 =	sand.u32 $0xC3800, s17  }
0xf: {  	s28 =	sand.u32 $0x380, s18;
	s16 =	sadd.s32 s16, s17  }
0x10: {  	s16 =	sor.u32 s28, s16  }
0x11: {  	s16 =	sshrl.u32 s16, $0x3  }
0x12: {  	s29 =	simm.s32 $0x0;
	s16 =	sadd.s32 s1, s16  }
0x13: {  	[tilespmem:s29], [sflag:$0x1] =	stream.strided.gather [hbm4b:s16+s8], $0x18700, s9, s8, $0x38;
	[tilespmem:$0x1C700] =	vst v63  }
0x14: {  	s30 =	sshll.u32 s15, $0x6;
	s31 =	sand.u32 $0x70, s15;
	_ =	swait.ge [sflag:s10], $0x18700  }
0x15: {  	s17 =	sadd.s32 s4, s31;
	s16 =	sand.u32 $0xFFFE000, s30;
	[sflag:s10] =	ssyncset.done $0x0  }
0x16: {  	s16 =	sadd.s32 s16, s17;
	[sflag:s10] =	ssyncadd.s32 $0xFFFE7900  }
0x17: {  	[tilespmem:s11], [sflag:$0x1] =	stream.strided.gather [hbm4b:s16+s8], $0x2000, s9, s8, $0x38;
	[tilespmem:$0x1C700] =	vst v63  }
0x18: {  	_ =	swait.ge [sflag:s10], $0x2000  }
0x19: {  	[sflag:s10] =	ssyncset.done $0x0  }
0x1a: {  	s17 =	simm.s32 $0x0;
	[sflag:s10] =	ssyncadd.s32 $0xFFFFE000  }
0x1b: {  	v0 =	vld [tilespmem:s17+$0x18700];
	_ =	sdelay $0x7  }
0x1c: {  	s18 =	simm.s32 $0x80;
	s16 =	simm.s32 $0x10;
	v0 =	vld.idx.msk [tilespmem:v0+s3+$0x0], $0xffff  }
.LBB2_3:
0x1d: {  	p0 =	sne.s32 s18, $0x7FC0;
	v1 =	vld [tilespmem:s16+$0x18700];
	_ =	sdelay $0x3  }
.Ltmp0:
0x1e: {  	(pc) =	sbr.rel @p0 .LBB2_3-.Ltmp0, $2  }
0x1f: {  	[tilespmem:s17+$0x1A700] =	vst v0;
	s17 =	smov.u32 s16;
	_ =	sdelay $0x2  }
0x20: {  	s16 =	sshra.s32 s18, $0x2;
	s18 =	sadd.s32 $0x40, s18;
	v0 =	vld.idx.msk [tilespmem:v1+s3+$0x0], $0xffff  }
0x21: {  	v1 =	vld [tilespmem:s16+$0x18700];
	_ =	sdelay $0x6  }
0x22: {  	[tilespmem:s17+$0x1A700] =	vst v0  }
0x23: {  	v0 =	vld.idx.msk [tilespmem:v1+s3+$0x0], $0xffff;
	_ =	sdelay $0x1  }
0x24: {  	s30 =	sshll.u32 s15, $0x4  }
0x25: {  	s31 =	sshll.u32 s15, $0xA;
	s14 =	sadd.s32 $0x1, s14;
	s17 =	sand.u32 $0x70, s30  }
0x26: {  	s15 =	sand.u32 $0xFFFE000, s31;
	p0 =	sne.s32 s14, $0xD;
	s17 =	sadd.s32 s5, s17  }
.Ltmp1:
0x27: {  	s15 =	sadd.s32 s15, s17;
	[tilespmem:s16+$0x1A700] =	vst v0;
	(pc) =	sbr.rel @p0 .LBB2_2-.Ltmp1, $4  }
0x28: {  	[hbm4b:s15+s8] =	stream.strided.scatter [tilespmem:s12], [sflag:$0x1], $0x2000, s9, s8, $0x38;
	[tilespmem:$0x1C700] =	vst v63  }
0x29: {  	_ =	swait.ge [sflag:s10], $0x2000  }
0x2a: {  	[sflag:s10] =	ssyncset.done $0x0  }
0x2b: {  	[sflag:s10] =	ssyncadd.s32 $0xFFFFE000  }
0x2c: {  	s13 =	sadd.s32 $0x1, s13  }
0x2d: {  	p0 =	sne.s32 s13, s7  }
.Ltmp2:
0x2e: {  	_ = 	snop;
	(pc) =	sbr.rel @p0 .LBB2_1-.Ltmp2, $1  }
0x2f: {  	_ =	sdelay $0x3  }
0x30: {  	_ =	sfence.sel $0x180000  }
0x31: {  	[bflag:$0x0] =	sbarrier.arrive $0xFFFF  }
0x32: {  	p0 =	sne.s32 s2, $0x0;
	_ =	strace $0x9000004A  }
0x33: {  	s0 =	sadd.s32 @!p0 $0x100000, s0;
	[bflag:$0x2] =	sbarrier.arrive $0xFFFF  }
0x34: {  	[sflag:s0] =	ssyncadd.tile.s32 @!p0 $0x1;
	_ =	shalt  }
.Lfunc_end2:
_tile_overlayer_lowered:
.L_overlay_start_2:
0x35: {  	(tag) =	ssettag $0x2  }
0x36: {  	s0 =	rddreg [dreg:$0x0];
	s2 =	stileid.u32  }
0x37: {  	s1 =	rddreg [dreg:$0x1];
	p0 =	sne.s32 s2, $0x0  }
0x38: {  	s3 =	rddreg [dreg:$0x2];
	[bflag:$0x3] =	sbarrier.arrive $0xFFFF;
	s2 =	simm.s32 @!p0 $0x1C01  }
0x39: {  	[timem:s3], [sflag:s2] =	dma.local @!p0 [hbm:s0], s1  }
0x3a: {  	s0 =	simm.s32 @!p0 $0x1  }
0x3b: {  	_ =	swait.ge @!p0 [sflag:s0], s1  }
0x3c: {  	s1 =	ssub.s32 @!p0 $0x0, s1;
	[sflag:s0] =	ssyncset.done @!p0 $0x0  }
0x3d: {  	[sflag:s0] =	ssyncadd.s32 @!p0 s1  }
0x3e: {  	[bflag:$0x3] =	sbarrier.arrive $0xFFFF  }
0x3f: {  	_ =	shalt  }

</sc_bundles>
